<compile_context>
chip_gen: v7x
topology: tpu7x:2x2x1
jax: 0.10.2.dev20260603
libtpu: 0.0.44.dev20260713+nightly
codegen_flags: <defaults>
</compile_context>

<pallas_src>
import functools

import jax
import jax.numpy as jnp
from jax import lax
from jax.experimental import pallas as pl
from jax.experimental.pallas import tpu as pltpu
from jax.experimental.pallas import tpu_sc as plsc

N_NODES = 10000
N_EDGES = 320000
IN_DIM = 128
HIDDEN_DIM = 64
EMBED_DIM = 32

NC = 2
NS = 16
NW = NC * NS
CHUNK = 128
K_CHUNKS = 79
E_PER_W = CHUNK * K_CHUNKS
E_PAD = E_PER_W * NW
SEG_PAD = 10240
RPT = SEG_PAD // NS


def _sc_segment_sum(d_model, with_counts):
  mesh = plsc.VectorSubcoreMesh(
      core_axis_name="c", subcore_axis_name="s", num_cores=NC,
      num_subcores=NS)

  out_type = [jax.ShapeDtypeStruct((NC, SEG_PAD, d_model), jnp.float32)]
  if with_counts:
    out_type.append(jax.ShapeDtypeStruct((NC, SEG_PAD), jnp.float32))

  scratch = dict(
      src_v=pltpu.VMEM((K_CHUNKS, CHUNK), jnp.int32),
      dst_v=pltpu.VMEM((K_CHUNKS, CHUNK), jnp.int32),
      rows_v=pltpu.VMEM((CHUNK, d_model), jnp.float32),
      stage_v=pltpu.VMEM((RPT, d_model), jnp.float32),
      agg_sh=pltpu.VMEM_SHARED((SEG_PAD, d_model), jnp.float32),
  )
  if with_counts:
    scratch.update(
        ones_v=pltpu.VMEM((CHUNK,), jnp.float32),
        cstage_v=pltpu.VMEM((RPT,), jnp.float32),
        cnt_sh=pltpu.VMEM_SHARED((SEG_PAD,), jnp.float32),
    )

  @functools.partial(
      pl.kernel, out_type=tuple(out_type), mesh=mesh,
      scratch_types=scratch,
      compiler_params=pltpu.CompilerParams(use_tc_tiling_on_sc=False),
  )
  def kern(table_hbm, src_hbm, dst_hbm, z_hbm, z1_hbm, *refs, src_v, dst_v,
           rows_v, stage_v, agg_sh, ones_v=None, cstage_v=None, cnt_sh=None):
    if with_counts:
      agg_hbm, cnt_hbm = refs
    else:
      (agg_hbm,) = refs
      del z1_hbm
    c = lax.axis_index("c")
    s = lax.axis_index("s")
    w = s * NC + c

    pltpu.sync_copy(z_hbm, stage_v)
    pltpu.sync_copy(stage_v, agg_sh.at[pl.ds(s * RPT, RPT)])
    if with_counts:
      pltpu.sync_copy(z1_hbm, cstage_v)
      pltpu.sync_copy(cstage_v, cnt_sh.at[pl.ds(s * RPT, RPT)])
      for j in range(CHUNK // 16):
        ones_v[pl.ds(j * 16, 16)] = jnp.ones((16,), jnp.float32)
    plsc.subcore_barrier()

    pltpu.sync_copy(src_hbm.at[w], src_v)
    pltpu.sync_copy(dst_hbm.at[w], dst_v)

    def body(j, carry):
      pltpu.sync_copy(table_hbm.at[src_v.at[j]], rows_v)
      pltpu.sync_copy(rows_v, agg_sh.at[dst_v.at[j]], add=True)
      if with_counts:
        pltpu.sync_copy(ones_v, cnt_sh.at[dst_v.at[j]], add=True)
      return carry

    lax.fori_loop(0, K_CHUNKS, body, 0)
    plsc.subcore_barrier()

    pltpu.sync_copy(agg_sh.at[pl.ds(s * RPT, RPT)], stage_v)
    pltpu.sync_copy(stage_v, agg_hbm.at[c, pl.ds(s * RPT, RPT)])
    if with_counts:
      pltpu.sync_copy(cnt_sh.at[pl.ds(s * RPT, RPT)], cstage_v)
      pltpu.sync_copy(cstage_v, cnt_hbm.at[c, pl.ds(s * RPT, RPT)])

  return kern


def _tc_layer1(x, w_self1, w_neigh1, b1):
  def body(x_ref, ws_ref, wn_ref, b_ref, s1_ref, xp_ref):
    xv = x_ref[...]
    s1_ref[...] = (
        jnp.dot(xv, ws_ref[...], preferred_element_type=jnp.float32)
        + b_ref[...]
    )
    xp_ref[...] = jnp.dot(xv, wn_ref[...], preferred_element_type=jnp.float32)

  return pl.pallas_call(
      body,
      out_shape=(
          jax.ShapeDtypeStruct((N_NODES, HIDDEN_DIM), jnp.float32),
          jax.ShapeDtypeStruct((N_NODES, HIDDEN_DIM), jnp.float32),
      ),
  )(x, w_self1, w_neigh1, b1.reshape(1, HIDDEN_DIM))


def _tc_layer2(s1, p, cnt, w_self2, w_neigh2, b2):
  def body(s1_ref, p_ref, c_ref, ws_ref, wn_ref, b_ref, s2_ref, hp_ref,
           r_ref):
    psum = p_ref[0, :N_NODES, :] + p_ref[1, :N_NODES, :]
    csum = c_ref[0, :N_NODES, :] + c_ref[1, :N_NODES, :]
    recip = 1.0 / jnp.maximum(csum, 1.0)
    r_ref[...] = recip
    h = jnp.maximum(s1_ref[...] + psum * recip, 0.0)
    s2_ref[...] = (
        jnp.dot(h, ws_ref[...], preferred_element_type=jnp.float32)
        + b_ref[...]
    )
    hp_ref[...] = jnp.dot(h, wn_ref[...], preferred_element_type=jnp.float32)

  return pl.pallas_call(
      body,
      out_shape=(
          jax.ShapeDtypeStruct((N_NODES, EMBED_DIM), jnp.float32),
          jax.ShapeDtypeStruct((N_NODES, EMBED_DIM), jnp.float32),
          jax.ShapeDtypeStruct((N_NODES, 1), jnp.float32),
      ),
  )(s1, p, cnt, w_self2, w_neigh2, b2.reshape(1, EMBED_DIM))


def _tc_final(s2, q, recip):
  def body(s2_ref, q_ref, r_ref, out_ref):
    qsum = q_ref[0, :N_NODES, :] + q_ref[1, :N_NODES, :]
    out_ref[...] = s2_ref[...] + qsum * r_ref[...]

  return pl.pallas_call(
      body,
      out_shape=jax.ShapeDtypeStruct((N_NODES, EMBED_DIM), jnp.float32),
  )(s2, q, recip)


@jax.jit
def kernel(x, edge_index, w_self1, w_neigh1, b1, w_self2, w_neigh2, b2):
  src = edge_index[0].astype(jnp.int32)
  dst = edge_index[1].astype(jnp.int32)
  pad = E_PAD - N_EDGES
  src3 = jnp.concatenate([src, jnp.zeros((pad,), jnp.int32)]).reshape(
      NW, K_CHUNKS, CHUNK)
  dst3 = jnp.concatenate(
      [dst, jnp.full((pad,), N_NODES, jnp.int32)]).reshape(
          NW, K_CHUNKS, CHUNK)
  z64 = jnp.zeros((RPT, HIDDEN_DIM), jnp.float32)
  z32 = jnp.zeros((RPT, EMBED_DIM), jnp.float32)
  z1 = jnp.zeros((RPT,), jnp.float32)

  s1, xp = _tc_layer1(x, w_self1, w_neigh1, b1)
  p, cnt = _sc_segment_sum(HIDDEN_DIM, True)(xp, src3, dst3, z64, z1)
  s2, hp, recip = _tc_layer2(s1, p, cnt.reshape(NC, SEG_PAD, 1),
                             w_self2, w_neigh2, b2)
  (q,) = _sc_segment_sum(EMBED_DIM, False)(hp, src3, dst3, z32, z1)
  return _tc_final(s2, q, recip)

# --- scband reference (transcript-rebuilt; emitter-appended) ---
"""Pipeline reference for scband-gnnencoder-22067541967393 (READ-ONLY COPY).

The authoritative reference and input builder live on the scoring server;
editing this copy changes nothing except your own understanding.
"""

import jax, jax.numpy as jnp
import numpy as np

N_NODES = 10000
N_EDGES = 320000
IN_DIM = 128
HIDDEN_DIM = 64
EMBED_DIM = 32


def setup_inputs(seed: int = 0) -> dict:
    key = jax.random.key(seed)
    k_x, k_e, k1, k2, k3, k4 = jax.random.split(key, 6)
    x = jax.random.normal(k_x, (N_NODES, IN_DIM), dtype=jnp.float32)
    edge_index = jax.random.randint(k_e, (2, N_EDGES), 0, N_NODES, dtype=jnp.int64)
    # SAGEConv layer 1: in=128 -> out=64 (lin_self + lin_neigh + bias)
    s1 = 1.0 / np.sqrt(IN_DIM)
    w_self1 = jax.random.uniform(k1, (IN_DIM, HIDDEN_DIM), dtype=jnp.float32, minval=-s1, maxval=s1)
    w_neigh1 = jax.random.uniform(k2, (IN_DIM, HIDDEN_DIM), dtype=jnp.float32, minval=-s1, maxval=s1)
    b1 = jnp.zeros((HIDDEN_DIM,), dtype=jnp.float32)
    # SAGEConv layer 2: in=64 -> out=32
    s2 = 1.0 / np.sqrt(HIDDEN_DIM)
    w_self2 = jax.random.uniform(k3, (HIDDEN_DIM, EMBED_DIM), dtype=jnp.float32, minval=-s2, maxval=s2)
    w_neigh2 = jax.random.uniform(k4, (HIDDEN_DIM, EMBED_DIM), dtype=jnp.float32, minval=-s2, maxval=s2)
    b2 = jnp.zeros((EMBED_DIM,), dtype=jnp.float32)
    return {
        "x": x,
        "edge_index": edge_index,
        "w_self1": w_self1,
        "w_neigh1": w_neigh1,
        "b1": b1,
        "w_self2": w_self2,
        "w_neigh2": w_neigh2,
        "b2": b2,
    }


def _sage_conv(x, edge_index, w_self, w_neigh, b, num_nodes):
    src = edge_index[0]
    dst = edge_index[1]
    msgs = jnp.take(x, src, axis=0)  # gather source features [E, d]
    agg = jax.ops.segment_sum(msgs, dst, num_segments=num_nodes)  # scatter-add to dst
    ones = jnp.ones((src.shape[0], 1), dtype=x.dtype)
    cnt = jax.ops.segment_sum(ones, dst, num_segments=num_nodes)
    mean = agg / jnp.clip(cnt, 1.0, None)
    return x @ w_self + mean @ w_neigh + b


def reference(x, edge_index, w_self1, w_neigh1, b1, w_self2, w_neigh2, b2):
    # GNNEncoder forward (graphsage, n_layers=2), eval mode (dropout inactive)
    h = _sage_conv(x, edge_index, w_self1, w_neigh1, b1, N_NODES)
    h = jax.nn.relu(h)
    h = _sage_conv(h, edge_index, w_self2, w_neigh2, b2, N_NODES)
    return h

if __name__ == "__main__":
    import jax
    _d = setup_inputs()
    print(jax.jit(kernel)(*tuple(_d.values())))

</pallas_src>

<mosaic_0001>
#map = affine_map<(d0, d1) -> (0, 0)>
#map1 = affine_map<(d0, d1) -> (0, 0, 0)>
#map2 = affine_map<(d0, d1) -> (0)>
module attributes {stable_mosaic.version = 14 : i64} {
  func.func @kern(%arg0: i32, %arg1: i32, %arg2: memref<10000x64xf32, #tpu.memory_space<hbm>>, %arg3: memref<32x79x128xi32, #tpu.memory_space<hbm>>, %arg4: memref<32x79x128xi32, #tpu.memory_space<hbm>>, %arg5: memref<640x64xf32, #tpu.memory_space<hbm>>, %arg6: memref<640xf32, #tpu.memory_space<hbm>>, %arg7: memref<2x10240x64xf32, #tpu.memory_space<hbm>>, %arg8: memref<2x10240xf32, #tpu.memory_space<hbm>>, %arg9: memref<10240x64xf32, #tpu.memory_space<vmem_shared>>, %arg10: memref<10240xf32, #tpu.memory_space<vmem_shared>>, %arg11: memref<640xf32, #tpu.memory_space<vmem>>, %arg12: memref<79x128xi32, #tpu.memory_space<vmem>>, %arg13: memref<128xf32, #tpu.memory_space<vmem>>, %arg14: memref<128x64xf32, #tpu.memory_space<vmem>>, %arg15: memref<79x128xi32, #tpu.memory_space<vmem>>, %arg16: memref<640x64xf32, #tpu.memory_space<vmem>>) attributes {dimension_semantics = [#tpu.dimension_semantics<core_parallel>, #tpu.dimension_semantics<subcore_parallel>], iteration_bounds = array<i64: 2, 16>, scalar_prefetch = 0 : i64, scratch_operands = 8 : i64, tpu.core_type = #tpu.core_type<sc_vector_subcore>, window_params = [{transform_indices = #map}, {transform_indices = #map1}, {transform_indices = #map1}, {transform_indices = #map}, {transform_indices = #map2}, {transform_indices = #map1}, {transform_indices = #map}]} {
    %mul3A = arith.constant 2 : i32
    %mul3A_0 = arith.muli %arg1, %mul3A : i32
    %add3A = arith.addi %mul3A_0, %arg0 : i32
    "tpu.region"() ({
      %run_scoped3A = tpu.sem_alloc : memref<!tpu.dma_semaphore, #tpu.memory_space<semaphore_mem>>
      tpu.enqueue_dma source(%arg5 : memref<640x64xf32, #tpu.memory_space<hbm>>) target(%arg16 : memref<640x64xf32, #tpu.memory_space<vmem>>) target_semaphore(%run_scoped3A : memref<!tpu.dma_semaphore, #tpu.memory_space<semaphore_mem>>)
      tpu.wait_dma2 semaphore(%run_scoped3A : memref<!tpu.dma_semaphore, #tpu.memory_space<semaphore_mem>>) src(%arg5 : memref<640x64xf32, #tpu.memory_space<hbm>>) dst(%arg16 : memref<640x64xf32, #tpu.memory_space<vmem>>)
      tpu.yield
    }) : () -> ()
    %mul3A_1 = arith.constant 640 : i32
    %mul3A_2 = arith.muli %arg1, %mul3A_1 : i32
    "tpu.region"() ({
      %run_scoped3A = tpu.sem_alloc : memref<!tpu.dma_semaphore, #tpu.memory_space<semaphore_mem>>
      %dma_start3A = arith.constant 0 : i32
      %dma_start3A_65 = tpu.memref_slice %arg9[%mul3A_2, %dma_start3A] : memref<10240x64xf32, #tpu.memory_space<vmem_shared>> -> memref<640x64xf32, #tpu.memory_space<vmem_shared>>
      %dma_start3A_66 = arith.constant 0 : i32
      %dma_start3A_67 = tpu.memref_slice %arg9[%mul3A_2, %dma_start3A_66] : memref<10240x64xf32, #tpu.memory_space<vmem_shared>> -> memref<640x64xf32, #tpu.memory_space<vmem_shared>>
      tpu.enqueue_dma source(%arg16 : memref<640x64xf32, #tpu.memory_space<vmem>>) target(%dma_start3A_67 : memref<640x64xf32, #tpu.memory_space<vmem_shared>>) target_semaphore(%run_scoped3A : memref<!tpu.dma_semaphore, #tpu.memory_space<semaphore_mem>>)
      %dma_wait3A = arith.constant 0 : i32
      %dma_wait3A_68 = tpu.memref_slice %arg9[%mul3A_2, %dma_wait3A] : memref<10240x64xf32, #tpu.memory_space<vmem_shared>> -> memref<640x64xf32, #tpu.memory_space<vmem_shared>>
      %dma_wait3A_69 = arith.constant 0 : i32
      %dma_wait3A_70 = tpu.memref_slice %arg9[%mul3A_2, %dma_wait3A_69] : memref<10240x64xf32, #tpu.memory_space<vmem_shared>> -> memref<640x64xf32, #tpu.memory_space<vmem_shared>>
      tpu.wait_dma2 semaphore(%run_scoped3A : memref<!tpu.dma_semaphore, #tpu.memory_space<semaphore_mem>>) src(%arg16 : memref<640x64xf32, #tpu.memory_space<vmem>>) dst(%dma_wait3A_70 : memref<640x64xf32, #tpu.memory_space<vmem_shared>>)
      tpu.yield
    }) : () -> ()
    "tpu.region"() ({
      %run_scoped3A = tpu.sem_alloc : memref<!tpu.dma_semaphore, #tpu.memory_space<semaphore_mem>>
      tpu.enqueue_dma source(%arg6 : memref<640xf32, #tpu.memory_space<hbm>>) target(%arg11 : memref<640xf32, #tpu.memory_space<vmem>>) target_semaphore(%run_scoped3A : memref<!tpu.dma_semaphore, #tpu.memory_space<semaphore_mem>>)
      tpu.wait_dma2 semaphore(%run_scoped3A : memref<!tpu.dma_semaphore, #tpu.memory_space<semaphore_mem>>) src(%arg6 : memref<640xf32, #tpu.memory_space<hbm>>) dst(%arg11 : memref<640xf32, #tpu.memory_space<vmem>>)
      tpu.yield
    }) : () -> ()
    %mul3A_3 = arith.constant 640 : i32
    %mul3A_4 = arith.muli %arg1, %mul3A_3 : i32
    "tpu.region"() ({
      %run_scoped3A = tpu.sem_alloc : memref<!tpu.dma_semaphore, #tpu.memory_space<semaphore_mem>>
      %dma_start3A = tpu.memref_slice %arg10[%mul3A_4] : memref<10240xf32, #tpu.memory_space<vmem_shared>> -> memref<640xf32, #tpu.memory_space<vmem_shared>>
      %dma_start3A_65 = tpu.memref_slice %arg10[%mul3A_4] : memref<10240xf32, #tpu.memory_space<vmem_shared>> -> memref<640xf32, #tpu.memory_space<vmem_shared>>
      tpu.enqueue_dma source(%arg11 : memref<640xf32, #tpu.memory_space<vmem>>) target(%dma_start3A_65 : memref<640xf32, #tpu.memory_space<vmem_shared>>) target_semaphore(%run_scoped3A : memref<!tpu.dma_semaphore, #tpu.memory_space<semaphore_mem>>)
      %dma_wait3A = tpu.memref_slice %arg10[%mul3A_4] : memref<10240xf32, #tpu.memory_space<vmem_shared>> -> memref<640xf32, #tpu.memory_space<vmem_shared>>
      %dma_wait3A_66 = tpu.memref_slice %arg10[%mul3A_4] : memref<10240xf32, #tpu.memory_space<vmem_shared>> -> memref<640xf32, #tpu.memory_space<vmem_shared>>
      tpu.wait_dma2 semaphore(%run_scoped3A : memref<!tpu.dma_semaphore, #tpu.memory_space<semaphore_mem>>) src(%arg11 : memref<640xf32, #tpu.memory_space<vmem>>) dst(%dma_wait3A_66 : memref<640xf32, #tpu.memory_space<vmem_shared>>)
      tpu.yield
    }) : () -> ()
    %broadcast_in_dim3A = arith.constant 1.000000e+00 : f32
    %broadcast_in_dim3A_5 = vector.broadcast %broadcast_in_dim3A : f32 to vector<16xf32>
    %swap3A = arith.constant 0 : index
    %swap3A_6 = tpu.vector_load %arg13[%swap3A] {strides = array<i32>} : memref<128xf32, #tpu.memory_space<vmem>>, vector<16xf32>,
    %swap3A_7 = vector.shape_cast %swap3A_6 : vector<16xf32> to vector<16xf32>
    %swap3A_8 = vector.shape_cast %broadcast_in_dim3A_5 : vector<16xf32> to vector<16xf32>
    tpu.vector_store %arg13[%swap3A], %swap3A_8 {strides = array<i32>} : memref<128xf32, #tpu.memory_space<vmem>>, vector<16xf32>,
    %broadcast_in_dim3A_9 = arith.constant 1.000000e+00 : f32
    %broadcast_in_dim3A_10 = vector.broadcast %broadcast_in_dim3A_9 : f32 to vector<16xf32>
    %swap3A_11 = arith.constant 16 : index
    %swap3A_12 = tpu.vector_load %arg13[%swap3A_11] {strides = array<i32>} : memref<128xf32, #tpu.memory_space<vmem>>, vector<16xf32>,
    %swap3A_13 = vector.shape_cast %swap3A_12 : vector<16xf32> to vector<16xf32>
    %swap3A_14 = vector.shape_cast %broadcast_in_dim3A_10 : vector<16xf32> to vector<16xf32>
    tpu.vector_store %arg13[%swap3A_11], %swap3A_14 {strides = array<i32>} : memref<128xf32, #tpu.memory_space<vmem>>, vector<16xf32>,
    %broadcast_in_dim3A_15 = arith.constant 1.000000e+00 : f32
    %broadcast_in_dim3A_16 = vector.broadcast %broadcast_in_dim3A_15 : f32 to vector<16xf32>
    %swap3A_17 = arith.constant 32 : index
    %swap3A_18 = tpu.vector_load %arg13[%swap3A_17] {strides = array<i32>} : memref<128xf32, #tpu.memory_space<vmem>>, vector<16xf32>,
    %swap3A_19 = vector.shape_cast %swap3A_18 : vector<16xf32> to vector<16xf32>
    %swap3A_20 = vector.shape_cast %broadcast_in_dim3A_16 : vector<16xf32> to vector<16xf32>
    tpu.vector_store %arg13[%swap3A_17], %swap3A_20 {strides = array<i32>} : memref<128xf32, #tpu.memory_space<vmem>>, vector<16xf32>,
    %broadcast_in_dim3A_21 = arith.constant 1.000000e+00 : f32
    %broadcast_in_dim3A_22 = vector.broadcast %broadcast_in_dim3A_21 : f32 to vector<16xf32>
    %swap3A_23 = arith.constant 48 : index
    %swap3A_24 = tpu.vector_load %arg13[%swap3A_23] {strides = array<i32>} : memref<128xf32, #tpu.memory_space<vmem>>, vector<16xf32>,
    %swap3A_25 = vector.shape_cast %swap3A_24 : vector<16xf32> to vector<16xf32>
    %swap3A_26 = vector.shape_cast %broadcast_in_dim3A_22 : vector<16xf32> to vector<16xf32>
    tpu.vector_store %arg13[%swap3A_23], %swap3A_26 {strides = array<i32>} : memref<128xf32, #tpu.memory_space<vmem>>, vector<16xf32>,
    %broadcast_in_dim3A_27 = arith.constant 1.000000e+00 : f32
    %broadcast_in_dim3A_28 = vector.broadcast %broadcast_in_dim3A_27 : f32 to vector<16xf32>
    %swap3A_29 = arith.constant 64 : index
    %swap3A_30 = tpu.vector_load %arg13[%swap3A_29] {strides = array<i32>} : memref<128xf32, #tpu.memory_space<vmem>>, vector<16xf32>,
    %swap3A_31 = vector.shape_cast %swap3A_30 : vector<16xf32> to vector<16xf32>
    %swap3A_32 = vector.shape_cast %broadcast_in_dim3A_28 : vector<16xf32> to vector<16xf32>
    tpu.vector_store %arg13[%swap3A_29], %swap3A_32 {strides = array<i32>} : memref<128xf32, #tpu.memory_space<vmem>>, vector<16xf32>,
    %broadcast_in_dim3A_33 = arith.constant 1.000000e+00 : f32
    %broadcast_in_dim3A_34 = vector.broadcast %broadcast_in_dim3A_33 : f32 to vector<16xf32>
    %swap3A_35 = arith.constant 80 : index
    %swap3A_36 = tpu.vector_load %arg13[%swap3A_35] {strides = array<i32>} : memref<128xf32, #tpu.memory_space<vmem>>, vector<16xf32>,
    %swap3A_37 = vector.shape_cast %swap3A_36 : vector<16xf32> to vector<16xf32>
    %swap3A_38 = vector.shape_cast %broadcast_in_dim3A_34 : vector<16xf32> to vector<16xf32>
    tpu.vector_store %arg13[%swap3A_35], %swap3A_38 {strides = array<i32>} : memref<128xf32, #tpu.memory_space<vmem>>, vector<16xf32>,
    %broadcast_in_dim3A_39 = arith.constant 1.000000e+00 : f32
    %broadcast_in_dim3A_40 = vector.broadcast %broadcast_in_dim3A_39 : f32 to vector<16xf32>
    %swap3A_41 = arith.constant 96 : index
    %swap3A_42 = tpu.vector_load %arg13[%swap3A_41] {strides = array<i32>} : memref<128xf32, #tpu.memory_space<vmem>>, vector<16xf32>,
    %swap3A_43 = vector.shape_cast %swap3A_42 : vector<16xf32> to vector<16xf32>
    %swap3A_44 = vector.shape_cast %broadcast_in_dim3A_40 : vector<16xf32> to vector<16xf32>
    tpu.vector_store %arg13[%swap3A_41], %swap3A_44 {strides = array<i32>} : memref<128xf32, #tpu.memory_space<vmem>>, vector<16xf32>,
    %broadcast_in_dim3A_45 = arith.constant 1.000000e+00 : f32
    %broadcast_in_dim3A_46 = vector.broadcast %broadcast_in_dim3A_45 : f32 to vector<16xf32>
    %swap3A_47 = arith.constant 112 : index
    %swap3A_48 = tpu.vector_load %arg13[%swap3A_47] {strides = array<i32>} : memref<128xf32, #tpu.memory_space<vmem>>, vector<16xf32>,
    %swap3A_49 = vector.shape_cast %swap3A_48 : vector<16xf32> to vector<16xf32>
    %swap3A_50 = vector.shape_cast %broadcast_in_dim3A_46 : vector<16xf32> to vector<16xf32>
    tpu.vector_store %arg13[%swap3A_47], %swap3A_50 {strides = array<i32>} : memref<128xf32, #tpu.memory_space<vmem>>, vector<16xf32>,
    %barrier3A = arith.constant 0 : index
    tpu.barrier barrier_id(%barrier3A)
    "tpu.region"() ({
      %run_scoped3A = tpu.sem_alloc : memref<!tpu.dma_semaphore, #tpu.memory_space<semaphore_mem>>
      %dma_start3A = arith.constant 0 : i32
      %dma_start3A_65 = arith.constant 0 : i32
      %dma_start3A_66 = tpu.memref_slice %arg3[%add3A, %dma_start3A, %dma_start3A_65] : memref<32x79x128xi32, #tpu.memory_space<hbm>> -> memref<1x79x128xi32, #tpu.memory_space<hbm>>
      %dma_start3A_67 = tpu.memref_squeeze %dma_start3A_66 : memref<1x79x128xi32, #tpu.memory_space<hbm>> -> memref<79x128xi32, #tpu.memory_space<hbm>>
      %dma_start3A_68 = arith.constant 0 : i32
      %dma_start3A_69 = arith.constant 0 : i32
      %dma_start3A_70 = tpu.memref_slice %arg3[%add3A, %dma_start3A_68, %dma_start3A_69] : memref<32x79x128xi32, #tpu.memory_space<hbm>> -> memref<1x79x128xi32, #tpu.memory_space<hbm>>
      %dma_start3A_71 = tpu.memref_squeeze %dma_start3A_70 : memref<1x79x128xi32, #tpu.memory_space<hbm>> -> memref<79x128xi32, #tpu.memory_space<hbm>>
      tpu.enqueue_dma source(%dma_start3A_71 : memref<79x128xi32, #tpu.memory_space<hbm>>) target(%arg15 : memref<79x128xi32, #tpu.memory_space<vmem>>) target_semaphore(%run_scoped3A : memref<!tpu.dma_semaphore, #tpu.memory_space<semaphore_mem>>)
      %dma_wait3A = arith.constant 0 : i32
      %dma_wait3A_72 = arith.constant 0 : i32
      %dma_wait3A_73 = tpu.memref_slice %arg3[%add3A, %dma_wait3A, %dma_wait3A_72] : memref<32x79x128xi32, #tpu.memory_space<hbm>> -> memref<1x79x128xi32, #tpu.memory_space<hbm>>
      %dma_wait3A_74 = tpu.memref_squeeze %dma_wait3A_73 : memref<1x79x128xi32, #tpu.memory_space<hbm>> -> memref<79x128xi32, #tpu.memory_space<hbm>>
      %dma_wait3A_75 = arith.constant 0 : i32
      %dma_wait3A_76 = arith.constant 0 : i32
      %dma_wait3A_77 = tpu.memref_slice %arg3[%add3A, %dma_wait3A_75, %dma_wait3A_76] : memref<32x79x128xi32, #tpu.memory_space<hbm>> -> memref<1x79x128xi32, #tpu.memory_space<hbm>>
      %dma_wait3A_78 = tpu.memref_squeeze %dma_wait3A_77 : memref<1x79x128xi32, #tpu.memory_space<hbm>> -> memref<79x128xi32, #tpu.memory_space<hbm>>
      tpu.wait_dma2 semaphore(%run_scoped3A : memref<!tpu.dma_semaphore, #tpu.memory_space<semaphore_mem>>) src(%dma_wait3A_78 : memref<79x128xi32, #tpu.memory_space<hbm>>) dst(%arg15 : memref<79x128xi32, #tpu.memory_space<vmem>>)
      tpu.yield
    }) : () -> ()
    "tpu.region"() ({
      %run_scoped3A = tpu.sem_alloc : memref<!tpu.dma_semaphore, #tpu.memory_space<semaphore_mem>>
      %dma_start3A = arith.constant 0 : i32
      %dma_start3A_65 = arith.constant 0 : i32
      %dma_start3A_66 = tpu.memref_slice %arg4[%add3A, %dma_start3A, %dma_start3A_65] : memref<32x79x128xi32, #tpu.memory_space<hbm>> -> memref<1x79x128xi32, #tpu.memory_space<hbm>>
      %dma_start3A_67 = tpu.memref_squeeze %dma_start3A_66 : memref<1x79x128xi32, #tpu.memory_space<hbm>> -> memref<79x128xi32, #tpu.memory_space<hbm>>
      %dma_start3A_68 = arith.constant 0 : i32
      %dma_start3A_69 = arith.constant 0 : i32
      %dma_start3A_70 = tpu.memref_slice %arg4[%add3A, %dma_start3A_68, %dma_start3A_69] : memref<32x79x128xi32, #tpu.memory_space<hbm>> -> memref<1x79x128xi32, #tpu.memory_space<hbm>>
      %dma_start3A_71 = tpu.memref_squeeze %dma_start3A_70 : memref<1x79x128xi32, #tpu.memory_space<hbm>> -> memref<79x128xi32, #tpu.memory_space<hbm>>
      tpu.enqueue_dma source(%dma_start3A_71 : memref<79x128xi32, #tpu.memory_space<hbm>>) target(%arg12 : memref<79x128xi32, #tpu.memory_space<vmem>>) target_semaphore(%run_scoped3A : memref<!tpu.dma_semaphore, #tpu.memory_space<semaphore_mem>>)
      %dma_wait3A = arith.constant 0 : i32
      %dma_wait3A_72 = arith.constant 0 : i32
      %dma_wait3A_73 = tpu.memref_slice %arg4[%add3A, %dma_wait3A, %dma_wait3A_72] : memref<32x79x128xi32, #tpu.memory_space<hbm>> -> memref<1x79x128xi32, #tpu.memory_space<hbm>>
      %dma_wait3A_74 = tpu.memref_squeeze %dma_wait3A_73 : memref<1x79x128xi32, #tpu.memory_space<hbm>> -> memref<79x128xi32, #tpu.memory_space<hbm>>
      %dma_wait3A_75 = arith.constant 0 : i32
      %dma_wait3A_76 = arith.constant 0 : i32
      %dma_wait3A_77 = tpu.memref_slice %arg4[%add3A, %dma_wait3A_75, %dma_wait3A_76] : memref<32x79x128xi32, #tpu.memory_space<hbm>> -> memref<1x79x128xi32, #tpu.memory_space<hbm>>
      %dma_wait3A_78 = tpu.memref_squeeze %dma_wait3A_77 : memref<1x79x128xi32, #tpu.memory_space<hbm>> -> memref<79x128xi32, #tpu.memory_space<hbm>>
      tpu.wait_dma2 semaphore(%run_scoped3A : memref<!tpu.dma_semaphore, #tpu.memory_space<semaphore_mem>>) src(%dma_wait3A_78 : memref<79x128xi32, #tpu.memory_space<hbm>>) dst(%arg12 : memref<79x128xi32, #tpu.memory_space<vmem>>)
      tpu.yield
    }) : () -> ()
    %scan3A = arith.constant 0 : i32
    %scan3A_51 = arith.constant 0 : i32
    %scan3A_52 = arith.constant 79 : i32
    %scan3A_53 = arith.addi %scan3A_51, %scan3A_52 : i32
    %scan3A_54 = arith.constant 1 : i32
    scf.for %scan3A_65 = %scan3A_51 to %scan3A_53 step %scan3A_54  : i32 {
      "tpu.region"() ({
        %run_scoped3A = tpu.sem_alloc : memref<!tpu.dma_semaphore, #tpu.memory_space<semaphore_mem>>
        %dma_start3A = arith.constant 0 : i32
        %dma_start3A_66 = tpu.memref_slice %arg15[%scan3A_65, %dma_start3A] : memref<79x128xi32, #tpu.memory_space<vmem>> -> memref<1x128xi32, #tpu.memory_space<vmem>>
        %dma_start3A_67 = tpu.memref_squeeze %dma_start3A_66 : memref<1x128xi32, #tpu.memory_space<vmem>> -> memref<128xi32, #tpu.memory_space<vmem>>
        %dma_start3A_68 = arith.constant 0 : i32
        %dma_start3A_69 = arith.constant 0 : i32
        %dma_start3A_70 = tpu.memref_slice %arg2[%dma_start3A_68, %dma_start3A_69] : memref<10000x64xf32, #tpu.memory_space<hbm>> -> memref<10000x64xf32, #tpu.memory_space<hbm>>
        tpu.enqueue_indirect_dma source(%dma_start3A_70 : memref<10000x64xf32, #tpu.memory_space<hbm>>) target(%arg14 : memref<128x64xf32, #tpu.memory_space<vmem>>) offsets(%dma_start3A_67 : memref<128xi32, #tpu.memory_space<vmem>>) semaphore(%run_scoped3A : memref<!tpu.dma_semaphore, #tpu.memory_space<semaphore_mem>>)
        %dma_wait3A = arith.constant 0 : i32
        %dma_wait3A_71 = tpu.memref_slice %arg15[%scan3A_65, %dma_wait3A] : memref<79x128xi32, #tpu.memory_space<vmem>> -> memref<1x128xi32, #tpu.memory_space<vmem>>
        %dma_wait3A_72 = tpu.memref_squeeze %dma_wait3A_71 : memref<1x128xi32, #tpu.memory_space<vmem>> -> memref<128xi32, #tpu.memory_space<vmem>>
        %dma_wait3A_73 = arith.constant 0 : i32
        %dma_wait3A_74 = arith.constant 0 : i32
        %dma_wait3A_75 = tpu.memref_slice %arg2[%dma_wait3A_73, %dma_wait3A_74] : memref<10000x64xf32, #tpu.memory_space<hbm>> -> memref<10000x64xf32, #tpu.memory_space<hbm>>
        tpu.wait_indirect_dma semaphore(%run_scoped3A : memref<!tpu.dma_semaphore, #tpu.memory_space<semaphore_mem>>) src(%dma_wait3A_75 : memref<10000x64xf32, #tpu.memory_space<hbm>>) dst(%arg14 : memref<128x64xf32, #tpu.memory_space<vmem>>)
        tpu.yield
      }) : () -> ()
      "tpu.region"() ({
        %run_scoped3A = tpu.sem_alloc : memref<!tpu.dma_semaphore, #tpu.memory_space<semaphore_mem>>
        %dma_start3A = arith.constant 0 : i32
        %dma_start3A_66 = tpu.memref_slice %arg12[%scan3A_65, %dma_start3A] : memref<79x128xi32, #tpu.memory_space<vmem>> -> memref<1x128xi32, #tpu.memory_space<vmem>>
        %dma_start3A_67 = tpu.memref_squeeze %dma_start3A_66 : memref<1x128xi32, #tpu.memory_space<vmem>> -> memref<128xi32, #tpu.memory_space<vmem>>
        %dma_start3A_68 = arith.constant 0 : i32
        %dma_start3A_69 = arith.constant 0 : i32
        %dma_start3A_70 = tpu.memref_slice %arg9[%dma_start3A_68, %dma_start3A_69] : memref<10240x64xf32, #tpu.memory_space<vmem_shared>> -> memref<10240x64xf32, #tpu.memory_space<vmem_shared>>
        tpu.enqueue_indirect_dma source(%arg14 : memref<128x64xf32, #tpu.memory_space<vmem>>) target(%dma_start3A_70 : memref<10240x64xf32, #tpu.memory_space<vmem_shared>>) offsets(%dma_start3A_67 : memref<128xi32, #tpu.memory_space<vmem>>) semaphore(%run_scoped3A : memref<!tpu.dma_semaphore, #tpu.memory_space<semaphore_mem>>) {add = true}
        %dma_wait3A = arith.constant 0 : i32
        %dma_wait3A_71 = tpu.memref_slice %arg12[%scan3A_65, %dma_wait3A] : memref<79x128xi32, #tpu.memory_space<vmem>> -> memref<1x128xi32, #tpu.memory_space<vmem>>
        %dma_wait3A_72 = tpu.memref_squeeze %dma_wait3A_71 : memref<1x128xi32, #tpu.memory_space<vmem>> -> memref<128xi32, #tpu.memory_space<vmem>>
        %dma_wait3A_73 = arith.constant 0 : i32
        %dma_wait3A_74 = arith.constant 0 : i32
        %dma_wait3A_75 = tpu.memref_slice %arg9[%dma_wait3A_73, %dma_wait3A_74] : memref<10240x64xf32, #tpu.memory_space<vmem_shared>> -> memref<10240x64xf32, #tpu.memory_space<vmem_shared>>
        tpu.wait_indirect_dma semaphore(%run_scoped3A : memref<!tpu.dma_semaphore, #tpu.memory_space<semaphore_mem>>) src(%arg14 : memref<128x64xf32, #tpu.memory_space<vmem>>) dst(%dma_wait3A_75 : memref<10240x64xf32, #tpu.memory_space<vmem_shared>>)
        tpu.yield
      }) : () -> ()
      "tpu.region"() ({
        %run_scoped3A = tpu.sem_alloc : memref<!tpu.dma_semaphore, #tpu.memory_space<semaphore_mem>>
        %dma_start3A = arith.constant 0 : i32
        %dma_start3A_66 = tpu.memref_slice %arg12[%scan3A_65, %dma_start3A] : memref<79x128xi32, #tpu.memory_space<vmem>> -> memref<1x128xi32, #tpu.memory_space<vmem>>
        %dma_start3A_67 = tpu.memref_squeeze %dma_start3A_66 : memref<1x128xi32, #tpu.memory_space<vmem>> -> memref<128xi32, #tpu.memory_space<vmem>>
        %dma_start3A_68 = arith.constant 0 : i32
        %dma_start3A_69 = tpu.memref_slice %arg10[%dma_start3A_68] : memref<10240xf32, #tpu.memory_space<vmem_shared>> -> memref<10240xf32, #tpu.memory_space<vmem_shared>>
        tpu.enqueue_indirect_dma source(%arg13 : memref<128xf32, #tpu.memory_space<vmem>>) target(%dma_start3A_69 : memref<10240xf32, #tpu.memory_space<vmem_shared>>) offsets(%dma_start3A_67 : memref<128xi32, #tpu.memory_space<vmem>>) semaphore(%run_scoped3A : memref<!tpu.dma_semaphore, #tpu.memory_space<semaphore_mem>>) {add = true}
        %dma_wait3A = arith.constant 0 : i32
        %dma_wait3A_70 = tpu.memref_slice %arg12[%scan3A_65, %dma_wait3A] : memref<79x128xi32, #tpu.memory_space<vmem>> -> memref<1x128xi32, #tpu.memory_space<vmem>>
        %dma_wait3A_71 = tpu.memref_squeeze %dma_wait3A_70 : memref<1x128xi32, #tpu.memory_space<vmem>> -> memref<128xi32, #tpu.memory_space<vmem>>
        %dma_wait3A_72 = arith.constant 0 : i32
        %dma_wait3A_73 = tpu.memref_slice %arg10[%dma_wait3A_72] : memref<10240xf32, #tpu.memory_space<vmem_shared>> -> memref<10240xf32, #tpu.memory_space<vmem_shared>>
        tpu.wait_indirect_dma semaphore(%run_scoped3A : memref<!tpu.dma_semaphore, #tpu.memory_space<semaphore_mem>>) src(%arg13 : memref<128xf32, #tpu.memory_space<vmem>>) dst(%dma_wait3A_73 : memref<10240xf32, #tpu.memory_space<vmem_shared>>)
        tpu.yield
      }) : () -> ()
    }
    %scan3A_55 = arith.constant 79 : i32
    %barrier3A_56 = arith.constant 0 : index
    tpu.barrier barrier_id(%barrier3A_56)
    %mul3A_57 = arith.constant 640 : i32
    %mul3A_58 = arith.muli %arg1, %mul3A_57 : i32
    "tpu.region"() ({
      %run_scoped3A = tpu.sem_alloc : memref<!tpu.dma_semaphore, #tpu.memory_space<semaphore_mem>>
      %dma_start3A = arith.constant 0 : i32
      %dma_start3A_65 = tpu.memref_slice %arg9[%mul3A_58, %dma_start3A] : memref<10240x64xf32, #tpu.memory_space<vmem_shared>> -> memref<640x64xf32, #tpu.memory_space<vmem_shared>>
      %dma_start3A_66 = arith.constant 0 : i32
      %dma_start3A_67 = tpu.memref_slice %arg9[%mul3A_58, %dma_start3A_66] : memref<10240x64xf32, #tpu.memory_space<vmem_shared>> -> memref<640x64xf32, #tpu.memory_space<vmem_shared>>
      tpu.enqueue_dma source(%dma_start3A_67 : memref<640x64xf32, #tpu.memory_space<vmem_shared>>) target(%arg16 : memref<640x64xf32, #tpu.memory_space<vmem>>) target_semaphore(%run_scoped3A : memref<!tpu.dma_semaphore, #tpu.memory_space<semaphore_mem>>)
      %dma_wait3A = arith.constant 0 : i32
      %dma_wait3A_68 = tpu.memref_slice %arg9[%mul3A_58, %dma_wait3A] : memref<10240x64xf32, #tpu.memory_space<vmem_shared>> -> memref<640x64xf32, #tpu.memory_space<vmem_shared>>
      %dma_wait3A_69 = arith.constant 0 : i32
      %dma_wait3A_70 = tpu.memref_slice %arg9[%mul3A_58, %dma_wait3A_69] : memref<10240x64xf32, #tpu.memory_space<vmem_shared>> -> memref<640x64xf32, #tpu.memory_space<vmem_shared>>
      tpu.wait_dma2 semaphore(%run_scoped3A : memref<!tpu.dma_semaphore, #tpu.memory_space<semaphore_mem>>) src(%dma_wait3A_70 : memref<640x64xf32, #tpu.memory_space<vmem_shared>>) dst(%arg16 : memref<640x64xf32, #tpu.memory_space<vmem>>)
      tpu.yield
    }) : () -> ()
    %mul3A_59 = arith.constant 640 : i32
    %mul3A_60 = arith.muli %arg1, %mul3A_59 : i32
    "tpu.region"() ({
      %run_scoped3A = tpu.sem_alloc : memref<!tpu.dma_semaphore, #tpu.memory_space<semaphore_mem>>
      %dma_start3A = arith.constant 0 : i32
      %dma_start3A_65 = tpu.memref_slice %arg7[%arg0, %mul3A_60, %dma_start3A] : memref<2x10240x64xf32, #tpu.memory_space<hbm>> -> memref<1x640x64xf32, #tpu.memory_space<hbm>>
      %dma_start3A_66 = tpu.memref_squeeze %dma_start3A_65 : memref<1x640x64xf32, #tpu.memory_space<hbm>> -> memref<640x64xf32, #tpu.memory_space<hbm>>
      %dma_start3A_67 = arith.constant 0 : i32
      %dma_start3A_68 = tpu.memref_slice %arg7[%arg0, %mul3A_60, %dma_start3A_67] : memref<2x10240x64xf32, #tpu.memory_space<hbm>> -> memref<1x640x64xf32, #tpu.memory_space<hbm>>
      %dma_start3A_69 = tpu.memref_squeeze %dma_start3A_68 : memref<1x640x64xf32, #tpu.memory_space<hbm>> -> memref<640x64xf32, #tpu.memory_space<hbm>>
      tpu.enqueue_dma source(%arg16 : memref<640x64xf32, #tpu.memory_space<vmem>>) target(%dma_start3A_69 : memref<640x64xf32, #tpu.memory_space<hbm>>) target_semaphore(%run_scoped3A : memref<!tpu.dma_semaphore, #tpu.memory_space<semaphore_mem>>)
      %dma_wait3A = arith.constant 0 : i32
      %dma_wait3A_70 = tpu.memref_slice %arg7[%arg0, %mul3A_60, %dma_wait3A] : memref<2x10240x64xf32, #tpu.memory_space<hbm>> -> memref<1x640x64xf32, #tpu.memory_space<hbm>>
      %dma_wait3A_71 = tpu.memref_squeeze %dma_wait3A_70 : memref<1x640x64xf32, #tpu.memory_space<hbm>> -> memref<640x64xf32, #tpu.memory_space<hbm>>
      %dma_wait3A_72 = arith.constant 0 : i32
      %dma_wait3A_73 = tpu.memref_slice %arg7[%arg0, %mul3A_60, %dma_wait3A_72] : memref<2x10240x64xf32, #tpu.memory_space<hbm>> -> memref<1x640x64xf32, #tpu.memory_space<hbm>>
      %dma_wait3A_74 = tpu.memref_squeeze %dma_wait3A_73 : memref<1x640x64xf32, #tpu.memory_space<hbm>> -> memref<640x64xf32, #tpu.memory_space<hbm>>
      tpu.wait_dma2 semaphore(%run_scoped3A : memref<!tpu.dma_semaphore, #tpu.memory_space<semaphore_mem>>) src(%arg16 : memref<640x64xf32, #tpu.memory_space<vmem>>) dst(%dma_wait3A_74 : memref<640x64xf32, #tpu.memory_space<hbm>>)
      tpu.yield
    }) : () -> ()
    %mul3A_61 = arith.constant 640 : i32
    %mul3A_62 = arith.muli %arg1, %mul3A_61 : i32
    "tpu.region"() ({
      %run_scoped3A = tpu.sem_alloc : memref<!tpu.dma_semaphore, #tpu.memory_space<semaphore_mem>>
      %dma_start3A = tpu.memref_slice %arg10[%mul3A_62] : memref<10240xf32, #tpu.memory_space<vmem_shared>> -> memref<640xf32, #tpu.memory_space<vmem_shared>>
      %dma_start3A_65 = tpu.memref_slice %arg10[%mul3A_62] : memref<10240xf32, #tpu.memory_space<vmem_shared>> -> memref<640xf32, #tpu.memory_space<vmem_shared>>
      tpu.enqueue_dma source(%dma_start3A_65 : memref<640xf32, #tpu.memory_space<vmem_shared>>) target(%arg11 : memref<640xf32, #tpu.memory_space<vmem>>) target_semaphore(%run_scoped3A : memref<!tpu.dma_semaphore, #tpu.memory_space<semaphore_mem>>)
      %dma_wait3A = tpu.memref_slice %arg10[%mul3A_62] : memref<10240xf32, #tpu.memory_space<vmem_shared>> -> memref<640xf32, #tpu.memory_space<vmem_shared>>
      %dma_wait3A_66 = tpu.memref_slice %arg10[%mul3A_62] : memref<10240xf32, #tpu.memory_space<vmem_shared>> -> memref<640xf32, #tpu.memory_space<vmem_shared>>
      tpu.wait_dma2 semaphore(%run_scoped3A : memref<!tpu.dma_semaphore, #tpu.memory_space<semaphore_mem>>) src(%dma_wait3A_66 : memref<640xf32, #tpu.memory_space<vmem_shared>>) dst(%arg11 : memref<640xf32, #tpu.memory_space<vmem>>)
      tpu.yield
    }) : () -> ()
    %mul3A_63 = arith.constant 640 : i32
    %mul3A_64 = arith.muli %arg1, %mul3A_63 : i32
    "tpu.region"() ({
      %run_scoped3A = tpu.sem_alloc : memref<!tpu.dma_semaphore, #tpu.memory_space<semaphore_mem>>
      %dma_start3A = tpu.memref_slice %arg8[%arg0, %mul3A_64] : memref<2x10240xf32, #tpu.memory_space<hbm>> -> memref<1x640xf32, #tpu.memory_space<hbm>>
      %dma_start3A_65 = tpu.memref_squeeze %dma_start3A : memref<1x640xf32, #tpu.memory_space<hbm>> -> memref<640xf32, #tpu.memory_space<hbm>>
      %dma_start3A_66 = tpu.memref_slice %arg8[%arg0, %mul3A_64] : memref<2x10240xf32, #tpu.memory_space<hbm>> -> memref<1x640xf32, #tpu.memory_space<hbm>>
      %dma_start3A_67 = tpu.memref_squeeze %dma_start3A_66 : memref<1x640xf32, #tpu.memory_space<hbm>> -> memref<640xf32, #tpu.memory_space<hbm>>
      tpu.enqueue_dma source(%arg11 : memref<640xf32, #tpu.memory_space<vmem>>) target(%dma_start3A_67 : memref<640xf32, #tpu.memory_space<hbm>>) target_semaphore(%run_scoped3A : memref<!tpu.dma_semaphore, #tpu.memory_space<semaphore_mem>>)
      %dma_wait3A = tpu.memref_slice %arg8[%arg0, %mul3A_64] : memref<2x10240xf32, #tpu.memory_space<hbm>> -> memref<1x640xf32, #tpu.memory_space<hbm>>
      %dma_wait3A_68 = tpu.memref_squeeze %dma_wait3A : memref<1x640xf32, #tpu.memory_space<hbm>> -> memref<640xf32, #tpu.memory_space<hbm>>
      %dma_wait3A_69 = tpu.memref_slice %arg8[%arg0, %mul3A_64] : memref<2x10240xf32, #tpu.memory_space<hbm>> -> memref<1x640xf32, #tpu.memory_space<hbm>>
      %dma_wait3A_70 = tpu.memref_squeeze %dma_wait3A_69 : memref<1x640xf32, #tpu.memory_space<hbm>> -> memref<640xf32, #tpu.memory_space<hbm>>
      tpu.wait_dma2 semaphore(%run_scoped3A : memref<!tpu.dma_semaphore, #tpu.memory_space<semaphore_mem>>) src(%arg11 : memref<640xf32, #tpu.memory_space<vmem>>) dst(%dma_wait3A_70 : memref<640xf32, #tpu.memory_space<hbm>>)
      tpu.yield
    }) : () -> ()
    return
  }
}

#map = affine_map<(d0, d1) -> (0, 0)>
#map1 = affine_map<(d0, d1) -> (0, 0, 0)>
#map2 = affine_map<(d0, d1) -> (0)>
module attributes {stable_mosaic.version = 14 : i64} {
  func.func @kern(%arg0: i32, %arg1: i32, %arg2: memref<10000x32xf32, #tpu.memory_space<hbm>>, %arg3: memref<32x79x128xi32, #tpu.memory_space<hbm>>, %arg4: memref<32x79x128xi32, #tpu.memory_space<hbm>>, %arg5: memref<640x32xf32, #tpu.memory_space<hbm>>, %arg6: memref<640xf32, #tpu.memory_space<hbm>>, %arg7: memref<2x10240x32xf32, #tpu.memory_space<hbm>>, %arg8: memref<10240x32xf32, #tpu.memory_space<vmem_shared>>, %arg9: memref<79x128xi32, #tpu.memory_space<vmem>>, %arg10: memref<128x32xf32, #tpu.memory_space<vmem>>, %arg11: memref<79x128xi32, #tpu.memory_space<vmem>>, %arg12: memref<640x32xf32, #tpu.memory_space<vmem>>) attributes {dimension_semantics = [#tpu.dimension_semantics<core_parallel>, #tpu.dimension_semantics<subcore_parallel>], iteration_bounds = array<i64: 2, 16>, scalar_prefetch = 0 : i64, scratch_operands = 5 : i64, tpu.core_type = #tpu.core_type<sc_vector_subcore>, window_params = [{transform_indices = #map}, {transform_indices = #map1}, {transform_indices = #map1}, {transform_indices = #map}, {transform_indices = #map2}, {transform_indices = #map1}]} {
    %mul3A = arith.constant 2 : i32
    %mul3A_0 = arith.muli %arg1, %mul3A : i32
    %add3A = arith.addi %mul3A_0, %arg0 : i32
    "tpu.region"() ({
      %run_scoped3A = tpu.sem_alloc : memref<!tpu.dma_semaphore, #tpu.memory_space<semaphore_mem>>
      tpu.enqueue_dma source(%arg5 : memref<640x32xf32, #tpu.memory_space<hbm>>) target(%arg12 : memref<640x32xf32, #tpu.memory_space<vmem>>) target_semaphore(%run_scoped3A : memref<!tpu.dma_semaphore, #tpu.memory_space<semaphore_mem>>)
      tpu.wait_dma2 semaphore(%run_scoped3A : memref<!tpu.dma_semaphore, #tpu.memory_space<semaphore_mem>>) src(%arg5 : memref<640x32xf32, #tpu.memory_space<hbm>>) dst(%arg12 : memref<640x32xf32, #tpu.memory_space<vmem>>)
      tpu.yield
    }) : () -> ()
    %mul3A_1 = arith.constant 640 : i32
    %mul3A_2 = arith.muli %arg1, %mul3A_1 : i32
    "tpu.region"() ({
      %run_scoped3A = tpu.sem_alloc : memref<!tpu.dma_semaphore, #tpu.memory_space<semaphore_mem>>
      %dma_start3A = arith.constant 0 : i32
      %dma_start3A_13 = tpu.memref_slice %arg8[%mul3A_2, %dma_start3A] : memref<10240x32xf32, #tpu.memory_space<vmem_shared>> -> memref<640x32xf32, #tpu.memory_space<vmem_shared>>
      %dma_start3A_14 = arith.constant 0 : i32
      %dma_start3A_15 = tpu.memref_slice %arg8[%mul3A_2, %dma_start3A_14] : memref<10240x32xf32, #tpu.memory_space<vmem_shared>> -> memref<640x32xf32, #tpu.memory_space<vmem_shared>>
      tpu.enqueue_dma source(%arg12 : memref<640x32xf32, #tpu.memory_space<vmem>>) target(%dma_start3A_15 : memref<640x32xf32, #tpu.memory_space<vmem_shared>>) target_semaphore(%run_scoped3A : memref<!tpu.dma_semaphore, #tpu.memory_space<semaphore_mem>>)
      %dma_wait3A = arith.constant 0 : i32
      %dma_wait3A_16 = tpu.memref_slice %arg8[%mul3A_2, %dma_wait3A] : memref<10240x32xf32, #tpu.memory_space<vmem_shared>> -> memref<640x32xf32, #tpu.memory_space<vmem_shared>>
      %dma_wait3A_17 = arith.constant 0 : i32
      %dma_wait3A_18 = tpu.memref_slice %arg8[%mul3A_2, %dma_wait3A_17] : memref<10240x32xf32, #tpu.memory_space<vmem_shared>> -> memref<640x32xf32, #tpu.memory_space<vmem_shared>>
      tpu.wait_dma2 semaphore(%run_scoped3A : memref<!tpu.dma_semaphore, #tpu.memory_space<semaphore_mem>>) src(%arg12 : memref<640x32xf32, #tpu.memory_space<vmem>>) dst(%dma_wait3A_18 : memref<640x32xf32, #tpu.memory_space<vmem_shared>>)
      tpu.yield
    }) : () -> ()
    %barrier3A = arith.constant 0 : index
    tpu.barrier barrier_id(%barrier3A)
    "tpu.region"() ({
      %run_scoped3A = tpu.sem_alloc : memref<!tpu.dma_semaphore, #tpu.memory_space<semaphore_mem>>
      %dma_start3A = arith.constant 0 : i32
      %dma_start3A_13 = arith.constant 0 : i32
      %dma_start3A_14 = tpu.memref_slice %arg3[%add3A, %dma_start3A, %dma_start3A_13] : memref<32x79x128xi32, #tpu.memory_space<hbm>> -> memref<1x79x128xi32, #tpu.memory_space<hbm>>
      %dma_start3A_15 = tpu.memref_squeeze %dma_start3A_14 : memref<1x79x128xi32, #tpu.memory_space<hbm>> -> memref<79x128xi32, #tpu.memory_space<hbm>>
      %dma_start3A_16 = arith.constant 0 : i32
      %dma_start3A_17 = arith.constant 0 : i32
      %dma_start3A_18 = tpu.memref_slice %arg3[%add3A, %dma_start3A_16, %dma_start3A_17] : memref<32x79x128xi32, #tpu.memory_space<hbm>> -> memref<1x79x128xi32, #tpu.memory_space<hbm>>
      %dma_start3A_19 = tpu.memref_squeeze %dma_start3A_18 : memref<1x79x128xi32, #tpu.memory_space<hbm>> -> memref<79x128xi32, #tpu.memory_space<hbm>>
      tpu.enqueue_dma source(%dma_start3A_19 : memref<79x128xi32, #tpu.memory_space<hbm>>) target(%arg11 : memref<79x128xi32, #tpu.memory_space<vmem>>) target_semaphore(%run_scoped3A : memref<!tpu.dma_semaphore, #tpu.memory_space<semaphore_mem>>)
      %dma_wait3A = arith.constant 0 : i32
      %dma_wait3A_20 = arith.constant 0 : i32
      %dma_wait3A_21 = tpu.memref_slice %arg3[%add3A, %dma_wait3A, %dma_wait3A_20] : memref<32x79x128xi32, #tpu.memory_space<hbm>> -> memref<1x79x128xi32, #tpu.memory_space<hbm>>
      %dma_wait3A_22 = tpu.memref_squeeze %dma_wait3A_21 : memref<1x79x128xi32, #tpu.memory_space<hbm>> -> memref<79x128xi32, #tpu.memory_space<hbm>>
      %dma_wait3A_23 = arith.constant 0 : i32
      %dma_wait3A_24 = arith.constant 0 : i32
      %dma_wait3A_25 = tpu.memref_slice %arg3[%add3A, %dma_wait3A_23, %dma_wait3A_24] : memref<32x79x128xi32, #tpu.memory_space<hbm>> -> memref<1x79x128xi32, #tpu.memory_space<hbm>>
      %dma_wait3A_26 = tpu.memref_squeeze %dma_wait3A_25 : memref<1x79x128xi32, #tpu.memory_space<hbm>> -> memref<79x128xi32, #tpu.memory_space<hbm>>
      tpu.wait_dma2 semaphore(%run_scoped3A : memref<!tpu.dma_semaphore, #tpu.memory_space<semaphore_mem>>) src(%dma_wait3A_26 : memref<79x128xi32, #tpu.memory_space<hbm>>) dst(%arg11 : memref<79x128xi32, #tpu.memory_space<vmem>>)
      tpu.yield
    }) : () -> ()
    "tpu.region"() ({
      %run_scoped3A = tpu.sem_alloc : memref<!tpu.dma_semaphore, #tpu.memory_space<semaphore_mem>>
      %dma_start3A = arith.constant 0 : i32
      %dma_start3A_13 = arith.constant 0 : i32
      %dma_start3A_14 = tpu.memref_slice %arg4[%add3A, %dma_start3A, %dma_start3A_13] : memref<32x79x128xi32, #tpu.memory_space<hbm>> -> memref<1x79x128xi32, #tpu.memory_space<hbm>>
      %dma_start3A_15 = tpu.memref_squeeze %dma_start3A_14 : memref<1x79x128xi32, #tpu.memory_space<hbm>> -> memref<79x128xi32, #tpu.memory_space<hbm>>
      %dma_start3A_16 = arith.constant 0 : i32
      %dma_start3A_17 = arith.constant 0 : i32
      %dma_start3A_18 = tpu.memref_slice %arg4[%add3A, %dma_start3A_16, %dma_start3A_17] : memref<32x79x128xi32, #tpu.memory_space<hbm>> -> memref<1x79x128xi32, #tpu.memory_space<hbm>>
      %dma_start3A_19 = tpu.memref_squeeze %dma_start3A_18 : memref<1x79x128xi32, #tpu.memory_space<hbm>> -> memref<79x128xi32, #tpu.memory_space<hbm>>
      tpu.enqueue_dma source(%dma_start3A_19 : memref<79x128xi32, #tpu.memory_space<hbm>>) target(%arg9 : memref<79x128xi32, #tpu.memory_space<vmem>>) target_semaphore(%run_scoped3A : memref<!tpu.dma_semaphore, #tpu.memory_space<semaphore_mem>>)
      %dma_wait3A = arith.constant 0 : i32
      %dma_wait3A_20 = arith.constant 0 : i32
      %dma_wait3A_21 = tpu.memref_slice %arg4[%add3A, %dma_wait3A, %dma_wait3A_20] : memref<32x79x128xi32, #tpu.memory_space<hbm>> -> memref<1x79x128xi32, #tpu.memory_space<hbm>>
      %dma_wait3A_22 = tpu.memref_squeeze %dma_wait3A_21 : memref<1x79x128xi32, #tpu.memory_space<hbm>> -> memref<79x128xi32, #tpu.memory_space<hbm>>
      %dma_wait3A_23 = arith.constant 0 : i32
      %dma_wait3A_24 = arith.constant 0 : i32
      %dma_wait3A_25 = tpu.memref_slice %arg4[%add3A, %dma_wait3A_23, %dma_wait3A_24] : memref<32x79x128xi32, #tpu.memory_space<hbm>> -> memref<1x79x128xi32, #tpu.memory_space<hbm>>
      %dma_wait3A_26 = tpu.memref_squeeze %dma_wait3A_25 : memref<1x79x128xi32, #tpu.memory_space<hbm>> -> memref<79x128xi32, #tpu.memory_space<hbm>>
      tpu.wait_dma2 semaphore(%run_scoped3A : memref<!tpu.dma_semaphore, #tpu.memory_space<semaphore_mem>>) src(%dma_wait3A_26 : memref<79x128xi32, #tpu.memory_space<hbm>>) dst(%arg9 : memref<79x128xi32, #tpu.memory_space<vmem>>)
      tpu.yield
    }) : () -> ()
    %scan3A = arith.constant 0 : i32
    %scan3A_3 = arith.constant 0 : i32
    %scan3A_4 = arith.constant 79 : i32
    %scan3A_5 = arith.addi %scan3A_3, %scan3A_4 : i32
    %scan3A_6 = arith.constant 1 : i32
    scf.for %scan3A_13 = %scan3A_3 to %scan3A_5 step %scan3A_6  : i32 {
      "tpu.region"() ({
        %run_scoped3A = tpu.sem_alloc : memref<!tpu.dma_semaphore, #tpu.memory_space<semaphore_mem>>
        %dma_start3A = arith.constant 0 : i32
        %dma_start3A_14 = tpu.memref_slice %arg11[%scan3A_13, %dma_start3A] : memref<79x128xi32, #tpu.memory_space<vmem>> -> memref<1x128xi32, #tpu.memory_space<vmem>>
        %dma_start3A_15 = tpu.memref_squeeze %dma_start3A_14 : memref<1x128xi32, #tpu.memory_space<vmem>> -> memref<128xi32, #tpu.memory_space<vmem>>
        %dma_start3A_16 = arith.constant 0 : i32
        %dma_start3A_17 = arith.constant 0 : i32
        %dma_start3A_18 = tpu.memref_slice %arg2[%dma_start3A_16, %dma_start3A_17] : memref<10000x32xf32, #tpu.memory_space<hbm>> -> memref<10000x32xf32, #tpu.memory_space<hbm>>
        tpu.enqueue_indirect_dma source(%dma_start3A_18 : memref<10000x32xf32, #tpu.memory_space<hbm>>) target(%arg10 : memref<128x32xf32, #tpu.memory_space<vmem>>) offsets(%dma_start3A_15 : memref<128xi32, #tpu.memory_space<vmem>>) semaphore(%run_scoped3A : memref<!tpu.dma_semaphore, #tpu.memory_space<semaphore_mem>>)
        %dma_wait3A = arith.constant 0 : i32
        %dma_wait3A_19 = tpu.memref_slice %arg11[%scan3A_13, %dma_wait3A] : memref<79x128xi32, #tpu.memory_space<vmem>> -> memref<1x128xi32, #tpu.memory_space<vmem>>
        %dma_wait3A_20 = tpu.memref_squeeze %dma_wait3A_19 : memref<1x128xi32, #tpu.memory_space<vmem>> -> memref<128xi32, #tpu.memory_space<vmem>>
        %dma_wait3A_21 = arith.constant 0 : i32
        %dma_wait3A_22 = arith.constant 0 : i32
        %dma_wait3A_23 = tpu.memref_slice %arg2[%dma_wait3A_21, %dma_wait3A_22] : memref<10000x32xf32, #tpu.memory_space<hbm>> -> memref<10000x32xf32, #tpu.memory_space<hbm>>
        tpu.wait_indirect_dma semaphore(%run_scoped3A : memref<!tpu.dma_semaphore, #tpu.memory_space<semaphore_mem>>) src(%dma_wait3A_23 : memref<10000x32xf32, #tpu.memory_space<hbm>>) dst(%arg10 : memref<128x32xf32, #tpu.memory_space<vmem>>)
        tpu.yield
      }) : () -> ()
      "tpu.region"() ({
        %run_scoped3A = tpu.sem_alloc : memref<!tpu.dma_semaphore, #tpu.memory_space<semaphore_mem>>
        %dma_start3A = arith.constant 0 : i32
        %dma_start3A_14 = tpu.memref_slice %arg9[%scan3A_13, %dma_start3A] : memref<79x128xi32, #tpu.memory_space<vmem>> -> memref<1x128xi32, #tpu.memory_space<vmem>>
        %dma_start3A_15 = tpu.memref_squeeze %dma_start3A_14 : memref<1x128xi32, #tpu.memory_space<vmem>> -> memref<128xi32, #tpu.memory_space<vmem>>
        %dma_start3A_16 = arith.constant 0 : i32
        %dma_start3A_17 = arith.constant 0 : i32
        %dma_start3A_18 = tpu.memref_slice %arg8[%dma_start3A_16, %dma_start3A_17] : memref<10240x32xf32, #tpu.memory_space<vmem_shared>> -> memref<10240x32xf32, #tpu.memory_space<vmem_shared>>
        tpu.enqueue_indirect_dma source(%arg10 : memref<128x32xf32, #tpu.memory_space<vmem>>) target(%dma_start3A_18 : memref<10240x32xf32, #tpu.memory_space<vmem_shared>>) offsets(%dma_start3A_15 : memref<128xi32, #tpu.memory_space<vmem>>) semaphore(%run_scoped3A : memref<!tpu.dma_semaphore, #tpu.memory_space<semaphore_mem>>) {add = true}
        %dma_wait3A = arith.constant 0 : i32
        %dma_wait3A_19 = tpu.memref_slice %arg9[%scan3A_13, %dma_wait3A] : memref<79x128xi32, #tpu.memory_space<vmem>> -> memref<1x128xi32, #tpu.memory_space<vmem>>
        %dma_wait3A_20 = tpu.memref_squeeze %dma_wait3A_19 : memref<1x128xi32, #tpu.memory_space<vmem>> -> memref<128xi32, #tpu.memory_space<vmem>>
        %dma_wait3A_21 = arith.constant 0 : i32
        %dma_wait3A_22 = arith.constant 0 : i32
        %dma_wait3A_23 = tpu.memref_slice %arg8[%dma_wait3A_21, %dma_wait3A_22] : memref<10240x32xf32, #tpu.memory_space<vmem_shared>> -> memref<10240x32xf32, #tpu.memory_space<vmem_shared>>
        tpu.wait_indirect_dma semaphore(%run_scoped3A : memref<!tpu.dma_semaphore, #tpu.memory_space<semaphore_mem>>) src(%arg10 : memref<128x32xf32, #tpu.memory_space<vmem>>) dst(%dma_wait3A_23 : memref<10240x32xf32, #tpu.memory_space<vmem_shared>>)
        tpu.yield
      }) : () -> ()
    }
    %scan3A_7 = arith.constant 79 : i32
    %barrier3A_8 = arith.constant 0 : index
    tpu.barrier barrier_id(%barrier3A_8)
    %mul3A_9 = arith.constant 640 : i32
    %mul3A_10 = arith.muli %arg1, %mul3A_9 : i32
    "tpu.region"() ({
      %run_scoped3A = tpu.sem_alloc : memref<!tpu.dma_semaphore, #tpu.memory_space<semaphore_mem>>
      %dma_start3A = arith.constant 0 : i32
      %dma_start3A_13 = tpu.memref_slice %arg8[%mul3A_10, %dma_start3A] : memref<10240x32xf32, #tpu.memory_space<vmem_shared>> -> memref<640x32xf32, #tpu.memory_space<vmem_shared>>
      %dma_start3A_14 = arith.constant 0 : i32
      %dma_start3A_15 = tpu.memref_slice %arg8[%mul3A_10, %dma_start3A_14] : memref<10240x32xf32, #tpu.memory_space<vmem_shared>> -> memref<640x32xf32, #tpu.memory_space<vmem_shared>>
      tpu.enqueue_dma source(%dma_start3A_15 : memref<640x32xf32, #tpu.memory_space<vmem_shared>>) target(%arg12 : memref<640x32xf32, #tpu.memory_space<vmem>>) target_semaphore(%run_scoped3A : memref<!tpu.dma_semaphore, #tpu.memory_space<semaphore_mem>>)
      %dma_wait3A = arith.constant 0 : i32
      %dma_wait3A_16 = tpu.memref_slice %arg8[%mul3A_10, %dma_wait3A] : memref<10240x32xf32, #tpu.memory_space<vmem_shared>> -> memref<640x32xf32, #tpu.memory_space<vmem_shared>>
      %dma_wait3A_17 = arith.constant 0 : i32
      %dma_wait3A_18 = tpu.memref_slice %arg8[%mul3A_10, %dma_wait3A_17] : memref<10240x32xf32, #tpu.memory_space<vmem_shared>> -> memref<640x32xf32, #tpu.memory_space<vmem_shared>>
      tpu.wait_dma2 semaphore(%run_scoped3A : memref<!tpu.dma_semaphore, #tpu.memory_space<semaphore_mem>>) src(%dma_wait3A_18 : memref<640x32xf32, #tpu.memory_space<vmem_shared>>) dst(%arg12 : memref<640x32xf32, #tpu.memory_space<vmem>>)
      tpu.yield
    }) : () -> ()
    %mul3A_11 = arith.constant 640 : i32
    %mul3A_12 = arith.muli %arg1, %mul3A_11 : i32
    "tpu.region"() ({
      %run_scoped3A = tpu.sem_alloc : memref<!tpu.dma_semaphore, #tpu.memory_space<semaphore_mem>>
      %dma_start3A = arith.constant 0 : i32
      %dma_start3A_13 = tpu.memref_slice %arg7[%arg0, %mul3A_12, %dma_start3A] : memref<2x10240x32xf32, #tpu.memory_space<hbm>> -> memref<1x640x32xf32, #tpu.memory_space<hbm>>
      %dma_start3A_14 = tpu.memref_squeeze %dma_start3A_13 : memref<1x640x32xf32, #tpu.memory_space<hbm>> -> memref<640x32xf32, #tpu.memory_space<hbm>>
      %dma_start3A_15 = arith.constant 0 : i32
      %dma_start3A_16 = tpu.memref_slice %arg7[%arg0, %mul3A_12, %dma_start3A_15] : memref<2x10240x32xf32, #tpu.memory_space<hbm>> -> memref<1x640x32xf32, #tpu.memory_space<hbm>>
      %dma_start3A_17 = tpu.memref_squeeze %dma_start3A_16 : memref<1x640x32xf32, #tpu.memory_space<hbm>> -> memref<640x32xf32, #tpu.memory_space<hbm>>
      tpu.enqueue_dma source(%arg12 : memref<640x32xf32, #tpu.memory_space<vmem>>) target(%dma_start3A_17 : memref<640x32xf32, #tpu.memory_space<hbm>>) target_semaphore(%run_scoped3A : memref<!tpu.dma_semaphore, #tpu.memory_space<semaphore_mem>>)
      %dma_wait3A = arith.constant 0 : i32
      %dma_wait3A_18 = tpu.memref_slice %arg7[%arg0, %mul3A_12, %dma_wait3A] : memref<2x10240x32xf32, #tpu.memory_space<hbm>> -> memref<1x640x32xf32, #tpu.memory_space<hbm>>
      %dma_wait3A_19 = tpu.memref_squeeze %dma_wait3A_18 : memref<1x640x32xf32, #tpu.memory_space<hbm>> -> memref<640x32xf32, #tpu.memory_space<hbm>>
      %dma_wait3A_20 = arith.constant 0 : i32
      %dma_wait3A_21 = tpu.memref_slice %arg7[%arg0, %mul3A_12, %dma_wait3A_20] : memref<2x10240x32xf32, #tpu.memory_space<hbm>> -> memref<1x640x32xf32, #tpu.memory_space<hbm>>
      %dma_wait3A_22 = tpu.memref_squeeze %dma_wait3A_21 : memref<1x640x32xf32, #tpu.memory_space<hbm>> -> memref<640x32xf32, #tpu.memory_space<hbm>>
      tpu.wait_dma2 semaphore(%run_scoped3A : memref<!tpu.dma_semaphore, #tpu.memory_space<semaphore_mem>>) src(%arg12 : memref<640x32xf32, #tpu.memory_space<vmem>>) dst(%dma_wait3A_22 : memref<640x32xf32, #tpu.memory_space<hbm>>)
      tpu.yield
    }) : () -> ()
    return
  }
}

module attributes {stable_mosaic.version = 14 : i64} {
  func.func @body(%arg0: memref<10000x128xf32, #tpu.memory_space<vmem>>, %arg1: memref<128x64xf32, #tpu.memory_space<vmem>>, %arg2: memref<128x64xf32, #tpu.memory_space<vmem>>, %arg3: memref<1x64xf32, #tpu.memory_space<vmem>>, %arg4: memref<10000x64xf32, #tpu.memory_space<vmem>>, %arg5: memref<10000x64xf32, #tpu.memory_space<vmem>>) attributes {dimension_semantics = [], scalar_prefetch = 0 : i64, scratch_operands = 0 : i64, tpu.core_type = #tpu.core_type<tc>} {
    %get3A = arith.constant 0 : index
    %get3A_0 = arith.constant 0 : index
    %get3A_1 = vector.load %arg0[%get3A, %get3A_0] : memref<10000x128xf32, #tpu.memory_space<vmem>>, vector<10000x128xf32>
    %get3A_2 = arith.constant 0 : index
    %get3A_3 = arith.constant 0 : index
    %get3A_4 = vector.load %arg1[%get3A_2, %get3A_3] : memref<128x64xf32, #tpu.memory_space<vmem>>, vector<128x64xf32>
    %dot_general3A = arith.constant dense<0.000000e+00> : vector<10000x64xf32>
    %dot_general3A_5 = tpu.matmul %get3A_1, %get3A_4, %dot_general3A {dimension_numbers = #tpu.dot_dimension_numbers<[1], [0], [0], [1], [0, 0, 1, 1], [], []>, transpose_lhs_hint = false} : vector<10000x128xf32>, vector<128x64xf32>, vector<10000x64xf32> -> vector<10000x64xf32>
    %get3A_6 = arith.constant 0 : index
    %get3A_7 = arith.constant 0 : index
    %get3A_8 = vector.load %arg3[%get3A_6, %get3A_7] : memref<1x64xf32, #tpu.memory_space<vmem>>, vector<1x64xf32>
    %add3A = vector.broadcast %get3A_8 : vector<1x64xf32> to vector<10000x64xf32>
    %add3A_9 = arith.addf %dot_general3A_5, %add3A : vector<10000x64xf32>
    %swap3A = arith.constant 0 : index
    %swap3A_10 = arith.constant 0 : index
    %swap3A_11 = vector.load %arg4[%swap3A, %swap3A_10] : memref<10000x64xf32, #tpu.memory_space<vmem>>, vector<10000x64xf32>
    tpu.vector_store %arg4[%swap3A, %swap3A_10], %add3A_9 {strides = array<i32>} : memref<10000x64xf32, #tpu.memory_space<vmem>>, vector<10000x64xf32>,
    %get3A_12 = arith.constant 0 : index
    %get3A_13 = arith.constant 0 : index
    %get3A_14 = vector.load %arg2[%get3A_12, %get3A_13] : memref<128x64xf32, #tpu.memory_space<vmem>>, vector<128x64xf32>
    %dot_general3A_15 = arith.constant dense<0.000000e+00> : vector<10000x64xf32>
    %dot_general3A_16 = tpu.matmul %get3A_1, %get3A_14, %dot_general3A_15 {dimension_numbers = #tpu.dot_dimension_numbers<[1], [0], [0], [1], [0, 0, 1, 1], [], []>, transpose_lhs_hint = false} : vector<10000x128xf32>, vector<128x64xf32>, vector<10000x64xf32> -> vector<10000x64xf32>
    %swap3A_17 = arith.constant 0 : index
    %swap3A_18 = arith.constant 0 : index
    %swap3A_19 = vector.load %arg5[%swap3A_17, %swap3A_18] : memref<10000x64xf32, #tpu.memory_space<vmem>>, vector<10000x64xf32>
    tpu.vector_store %arg5[%swap3A_17, %swap3A_18], %dot_general3A_16 {strides = array<i32>} : memref<10000x64xf32, #tpu.memory_space<vmem>>, vector<10000x64xf32>,
    return
  }
}

module attributes {stable_mosaic.version = 14 : i64} {
  func.func @body(%arg0: memref<10000x64xf32, #tpu.memory_space<vmem>>, %arg1: memref<2x10240x64xf32, #tpu.memory_space<vmem>>, %arg2: memref<2x10240x1xf32, #tpu.memory_space<vmem>>, %arg3: memref<64x32xf32, #tpu.memory_space<vmem>>, %arg4: memref<64x32xf32, #tpu.memory_space<vmem>>, %arg5: memref<1x32xf32, #tpu.memory_space<vmem>>, %arg6: memref<10000x32xf32, #tpu.memory_space<vmem>>, %arg7: memref<10000x32xf32, #tpu.memory_space<vmem>>, %arg8: memref<10000x1xf32, #tpu.memory_space<vmem>>) attributes {dimension_semantics = [], scalar_prefetch = 0 : i64, scratch_operands = 0 : i64, tpu.core_type = #tpu.core_type<tc>} {
    %get3A = arith.constant 0 : index
    %get3A_0 = arith.constant 0 : index
    %get3A_1 = arith.constant 0 : index
    %get3A_2 = vector.load %arg1[%get3A, %get3A_0, %get3A_1] : memref<2x10240x64xf32, #tpu.memory_space<vmem>>, vector<1x10000x64xf32>
    %get3A_3 = vector.shape_cast %get3A_2 : vector<1x10000x64xf32> to vector<10000x64xf32>
    %get3A_4 = arith.constant 1 : index
    %get3A_5 = arith.constant 0 : index
    %get3A_6 = arith.constant 0 : index
    %get3A_7 = vector.load %arg1[%get3A_4, %get3A_5, %get3A_6] : memref<2x10240x64xf32, #tpu.memory_space<vmem>>, vector<1x10000x64xf32>
    %get3A_8 = vector.shape_cast %get3A_7 : vector<1x10000x64xf32> to vector<10000x64xf32>
    %add3A = arith.addf %get3A_3, %get3A_8 : vector<10000x64xf32>
    %get3A_9 = arith.constant 0 : index
    %get3A_10 = arith.constant 0 : index
    %get3A_11 = arith.constant 0 : index
    %get3A_12 = vector.load %arg2[%get3A_9, %get3A_10, %get3A_11] : memref<2x10240x1xf32, #tpu.memory_space<vmem>>, vector<1x10000x1xf32>
    %get3A_13 = vector.shape_cast %get3A_12 : vector<1x10000x1xf32> to vector<10000x1xf32>
    %get3A_14 = arith.constant 1 : index
    %get3A_15 = arith.constant 0 : index
    %get3A_16 = arith.constant 0 : index
    %get3A_17 = vector.load %arg2[%get3A_14, %get3A_15, %get3A_16] : memref<2x10240x1xf32, #tpu.memory_space<vmem>>, vector<1x10000x1xf32>
    %get3A_18 = vector.shape_cast %get3A_17 : vector<1x10000x1xf32> to vector<10000x1xf32>
    %add3A_19 = arith.addf %get3A_13, %get3A_18 : vector<10000x1xf32>
    %max3A = arith.constant 1.000000e+00 : f32
    %max3A_20 = vector.broadcast %max3A : f32 to vector<10000x1xf32>
    %max3A_21 = arith.maximumf %add3A_19, %max3A_20 : vector<10000x1xf32>
    %div3A = arith.constant 1.000000e+00 : f32
    %div3A_22 = vector.broadcast %div3A : f32 to vector<10000x1xf32>
    %div3A_23 = arith.divf %div3A_22, %max3A_21 : vector<10000x1xf32>
    %swap3A = arith.constant 0 : index
    %swap3A_24 = arith.constant 0 : index
    %swap3A_25 = vector.load %arg8[%swap3A, %swap3A_24] : memref<10000x1xf32, #tpu.memory_space<vmem>>, vector<10000x1xf32>
    tpu.vector_store %arg8[%swap3A, %swap3A_24], %div3A_23 {strides = array<i32>} : memref<10000x1xf32, #tpu.memory_space<vmem>>, vector<10000x1xf32>,
    %get3A_26 = arith.constant 0 : index
    %get3A_27 = arith.constant 0 : index
    %get3A_28 = vector.load %arg0[%get3A_26, %get3A_27] : memref<10000x64xf32, #tpu.memory_space<vmem>>, vector<10000x64xf32>
    %mul3A = vector.broadcast %div3A_23 : vector<10000x1xf32> to vector<10000x64xf32>
    %mul3A_29 = arith.mulf %add3A, %mul3A : vector<10000x64xf32>
    %add3A_30 = arith.addf %get3A_28, %mul3A_29 : vector<10000x64xf32>
    %max3A_31 = arith.constant 0.000000e+00 : f32
    %max3A_32 = vector.broadcast %max3A_31 : f32 to vector<10000x64xf32>
    %max3A_33 = arith.maximumf %add3A_30, %max3A_32 : vector<10000x64xf32>
    %get3A_34 = arith.constant 0 : index
    %get3A_35 = arith.constant 0 : index
    %get3A_36 = vector.load %arg3[%get3A_34, %get3A_35] : memref<64x32xf32, #tpu.memory_space<vmem>>, vector<64x32xf32>
    %dot_general3A = arith.constant dense<0.000000e+00> : vector<10000x32xf32>
    %dot_general3A_37 = tpu.matmul %max3A_33, %get3A_36, %dot_general3A {dimension_numbers = #tpu.dot_dimension_numbers<[1], [0], [0], [1], [0, 0, 1, 1], [], []>, transpose_lhs_hint = false} : vector<10000x64xf32>, vector<64x32xf32>, vector<10000x32xf32> -> vector<10000x32xf32>
    %get3A_38 = arith.constant 0 : index
    %get3A_39 = arith.constant 0 : index
    %get3A_40 = vector.load %arg5[%get3A_38, %get3A_39] : memref<1x32xf32, #tpu.memory_space<vmem>>, vector<1x32xf32>
    %add3A_41 = vector.broadcast %get3A_40 : vector<1x32xf32> to vector<10000x32xf32>
    %add3A_42 = arith.addf %dot_general3A_37, %add3A_41 : vector<10000x32xf32>
    %swap3A_43 = arith.constant 0 : index
    %swap3A_44 = arith.constant 0 : index
    %swap3A_45 = vector.load %arg6[%swap3A_43, %swap3A_44] : memref<10000x32xf32, #tpu.memory_space<vmem>>, vector<10000x32xf32>
    tpu.vector_store %arg6[%swap3A_43, %swap3A_44], %add3A_42 {strides = array<i32>} : memref<10000x32xf32, #tpu.memory_space<vmem>>, vector<10000x32xf32>,
    %get3A_46 = arith.constant 0 : index
    %get3A_47 = arith.constant 0 : index
    %get3A_48 = vector.load %arg4[%get3A_46, %get3A_47] : memref<64x32xf32, #tpu.memory_space<vmem>>, vector<64x32xf32>
    %dot_general3A_49 = arith.constant dense<0.000000e+00> : vector<10000x32xf32>
    %dot_general3A_50 = tpu.matmul %max3A_33, %get3A_48, %dot_general3A_49 {dimension_numbers = #tpu.dot_dimension_numbers<[1], [0], [0], [1], [0, 0, 1, 1], [], []>, transpose_lhs_hint = false} : vector<10000x64xf32>, vector<64x32xf32>, vector<10000x32xf32> -> vector<10000x32xf32>
    %swap3A_51 = arith.constant 0 : index
    %swap3A_52 = arith.constant 0 : index
    %swap3A_53 = vector.load %arg7[%swap3A_51, %swap3A_52] : memref<10000x32xf32, #tpu.memory_space<vmem>>, vector<10000x32xf32>
    tpu.vector_store %arg7[%swap3A_51, %swap3A_52], %dot_general3A_50 {strides = array<i32>} : memref<10000x32xf32, #tpu.memory_space<vmem>>, vector<10000x32xf32>,
    return
  }
}

module attributes {stable_mosaic.version = 14 : i64} {
  func.func @body(%arg0: memref<10000x32xf32, #tpu.memory_space<vmem>>, %arg1: memref<2x10240x32xf32, #tpu.memory_space<vmem>>, %arg2: memref<10000x1xf32, #tpu.memory_space<vmem>>, %arg3: memref<10000x32xf32, #tpu.memory_space<vmem>>) attributes {dimension_semantics = [], scalar_prefetch = 0 : i64, scratch_operands = 0 : i64, tpu.core_type = #tpu.core_type<tc>} {
    %get3A = arith.constant 0 : index
    %get3A_0 = arith.constant 0 : index
    %get3A_1 = arith.constant 0 : index
    %get3A_2 = vector.load %arg1[%get3A, %get3A_0, %get3A_1] : memref<2x10240x32xf32, #tpu.memory_space<vmem>>, vector<1x10000x32xf32>
    %get3A_3 = vector.shape_cast %get3A_2 : vector<1x10000x32xf32> to vector<10000x32xf32>
    %get3A_4 = arith.constant 1 : index
    %get3A_5 = arith.constant 0 : index
    %get3A_6 = arith.constant 0 : index
    %get3A_7 = vector.load %arg1[%get3A_4, %get3A_5, %get3A_6] : memref<2x10240x32xf32, #tpu.memory_space<vmem>>, vector<1x10000x32xf32>
    %get3A_8 = vector.shape_cast %get3A_7 : vector<1x10000x32xf32> to vector<10000x32xf32>
    %add3A = arith.addf %get3A_3, %get3A_8 : vector<10000x32xf32>
    %get3A_9 = arith.constant 0 : index
    %get3A_10 = arith.constant 0 : index
    %get3A_11 = vector.load %arg0[%get3A_9, %get3A_10] : memref<10000x32xf32, #tpu.memory_space<vmem>>, vector<10000x32xf32>
    %get3A_12 = arith.constant 0 : index
    %get3A_13 = arith.constant 0 : index
    %get3A_14 = vector.load %arg2[%get3A_12, %get3A_13] : memref<10000x1xf32, #tpu.memory_space<vmem>>, vector<10000x1xf32>
    %mul3A = vector.broadcast %get3A_14 : vector<10000x1xf32> to vector<10000x32xf32>
    %mul3A_15 = arith.mulf %add3A, %mul3A : vector<10000x32xf32>
    %add3A_16 = arith.addf %get3A_11, %mul3A_15 : vector<10000x32xf32>
    %swap3A = arith.constant 0 : index
    %swap3A_17 = arith.constant 0 : index
    %swap3A_18 = vector.load %arg3[%swap3A, %swap3A_17] : memref<10000x32xf32, #tpu.memory_space<vmem>>, vector<10000x32xf32>
    tpu.vector_store %arg3[%swap3A, %swap3A_17], %add3A_16 {strides = array<i32>} : memref<10000x32xf32, #tpu.memory_space<vmem>>, vector<10000x32xf32>,
    return
  }
}

</mosaic_0001>

<sc_bundles>
// kernel: kernel.10.cloned.1.call-start
scs
__scs_entry_jumppad:
0x0: {  	(pc) =	sbr.rel $0x88, $3  }
0x1: {  	(tag) =	ssettag $0x0;
	lr =	simm.s32 $0x1  }
0x2: {  	[smem:$0x3F99] =	sst lr;
	_ =	strace $0xD0000000  }
0x3: {  	_ = 	snop  }
0x4: {  	_ = 	snop  }
0x5: {  	_ = 	snop  }
0x6: {  	_ = 	snop  }
0x7: {  	_ = 	snop  }
__scs_overlays_trampoline_lowered:
0x8: {  	[smem:$0x3FA8] =	sst s0  }
0x9: {  	[smem:$0x3FA9] =	sst s1  }
0xa: {  	[smem:$0x3FAA] =	sst s2  }
0xb: {  	[smem:$0x3FAB] =	sst s3  }
0xc: {  	[smem:$0x3FAC] =	sst s4  }
0xd: {  	[smem:$0x3FAD] =	sst s5  }
0xe: {  	[smem:$0x3FAE] =	sst s6  }
0xf: {  	[smem:$0x3FAF] =	sst s7  }
0x10: {  	[smem:$0x3FB0] =	sst s8  }
0x11: {  	[smem:$0x3FB1] =	sst s9;
	s0 =	simm.s32 @!p0 $0x0  }
0x12: {  	s1 =	sld [smem:$0x3F97];
	s0 =	simm.s32 @p0 $0x1  }
0x13: {  	[smem:$0x3FB2] =	sst s0;
	s0 =	simm.s32 @!p1 $0x0  }
0x14: {  	s2 =	sld [smem:$0x3F96];
	s0 =	simm.s32 @p1 $0x1  }
0x15: {  	[smem:$0x3FB3] =	sst s0;
	s0 =	simm.s32 @!p2 $0x0  }
0x16: {  	s3 =	sld [smem:$0x3FDB];
	s0 =	simm.s32 @p2 $0x1  }
0x17: {  	s4 =	simm.s32 $0x1BF5;
	[smem:$0x3FB5] =	sst s0  }
0x18: {  	s0 =	sld [smem:$0x3F98];
	_ =	swait.ge [sflag:s4], $0x0  }
0x19: {  	s7 =	sld [smem:$0x3F99]  }
0x1a: {  	s8 =	sadd.s32 $0xFFFFE003, lr  }
0x1b: {  	s9 =	sadd.s32 $0xFFFFFEF7, lr;
	s5 =	simm.s32 $0xFFFFFFFF;
	p2 =	slt.u32 s8, $0xFFFFF086  }
0x1c: {  	p1 =	slt.u32 s9, $0xF7A;
	s5 =	simm.s32 @!p2 $0x0  }
0x1d: {  	s5 =	simm.s32 @p1 $0x1;
	p0 =	seq.s32 s7, s2  }
0x1e: {  	s7 =	smul.u32 @!p0 $0xF7A, s2;
	p2 =	seq.s32 @!p0 s5, $0x0  }
0x1f: {  	s9 =	smul.u32 $0xF7A, s1;
	s8 =	simm.s32 @!p0 $0x1BF5;
	p2 =	por !p2, p0  }
0x20: {  	[sflag:s8] =	ssyncset.s32 @!p0 $0xFFFFF086;
	s6 =	sadd.s32 @!p0 s3, s7;
	s7 =	simm.s32 @!p0 $0x108  }
0x21: {  	s3 =	sadd.s32 s3, s9;
	s6 =	sadd.s32 @!p0 $0x88, s6;
	s7 =	simm.s32 @p2 $0x1082  }
0x22: {  	[simem:s7], [sflag:s8] =	dma.local @!p0 [hbm:s6], $0xF7A  }
0x23: {  	s9 =	sor.u32 $0xD0000000, s2;
	s6 =	simm.s32 $0x108;
	_ =	swait.ge @!p0 [sflag:s8], $0x0  }
0x24: {  	s3 =	sadd.s32 $0x88, s3;
	s6 =	simm.s32 @!p1 $0x1082;
	[sflag:s4] =	ssyncset.s32 $0xFFFFF086  }
0x25: {  	[simem:s6], [sflag:s4] =	dma.local [hbm:s3], $0xF7A  }
0x26: {  	[smem:$0x3F99] =	sst s1;
	(tag) =	ssettag s2;
	_ =	strace s9  }
0x27: {  	s1 =	sld [smem:$0x3FA9]  }
0x28: {  	s2 =	sld [smem:$0x3FAA]  }
0x29: {  	s4 =	sld [smem:$0x3FAC]  }
0x2a: {  	p0 =	seq.s32 s5, $0x0;
	s5 =	sld [smem:$0x3FAD]  }
0x2b: {  	s6 =	sld [smem:$0x3FAE]  }
0x2c: {  	s7 =	sld [smem:$0x3FAF]  }
0x2d: {  	s3 =	simm.s32 $0x108;
	s8 =	sld [smem:$0x3FB0]  }
0x2e: {  	s3 =	simm.s32 @!p0 $0x1082;
	s9 =	sld [smem:$0x3FB1]  }
0x2f: {  	lr =	sadd.s32 s0, s3;
	s0 =	sld [smem:$0x3FA8]  }
0x30: {  	s3 =	sld [smem:$0x3FAB]  }
0x31: {  	[smem:$0x3FB4] =	sst s10  }
0x32: {  	s10 =	sld [smem:$0x3FB2];
	_ =	sdelay $0x3  }
0x33: {  	p0 =	seq.s32 s10, $0x1;
	s10 =	sld [smem:$0x3FB4];
	_ =	sdelay $0x3  }
0x34: {  	[smem:$0x3FB4] =	sst s10  }
0x35: {  	s10 =	sld [smem:$0x3FB3];
	_ =	sdelay $0x3  }
0x36: {  	p1 =	seq.s32 s10, $0x1;
	s10 =	sld [smem:$0x3FB4];
	_ =	sdelay $0x3  }
0x37: {  	[smem:$0x3FB4] =	sst s10  }
0x38: {  	s10 =	sld [smem:$0x3FB5]  }
0x39: {  	_ = 	snop;
	(pc) =	sbr.ind lr, $3  }
0x3a: {  	_ = 	snop  }
0x3b: {  	_ = 	snop  }
0x3c: {  	p2 =	seq.s32 s10, $0x1;
	s10 =	sld [smem:$0x3FB4]  }
0x3d: {  	_ =	shalt  }
0x3e: {  	_ =	shalt  }
0x3f: {  	_ =	shalt  }
0x40: {  	_ =	shalt  }
0x41: {  	_ =	shalt  }
0x42: {  	_ =	shalt  }
0x43: {  	_ =	shalt  }
0x44: {  	_ =	shalt  }
0x45: {  	_ =	shalt  }
0x46: {  	_ =	shalt  }
0x47: {  	_ =	shalt  }
0x48: {  	_ =	shalt  }
0x49: {  	_ =	shalt  }
0x4a: {  	_ =	shalt  }
0x4b: {  	_ =	shalt  }
0x4c: {  	_ =	shalt  }
0x4d: {  	_ =	shalt  }
0x4e: {  	_ =	shalt  }
0x4f: {  	_ =	shalt  }
0x50: {  	_ =	shalt  }
0x51: {  	_ =	shalt  }
0x52: {  	_ =	shalt  }
0x53: {  	_ =	shalt  }
0x54: {  	_ =	shalt  }
0x55: {  	_ =	shalt  }
0x56: {  	_ =	shalt  }
0x57: {  	_ =	shalt  }
0x58: {  	_ =	shalt  }
0x59: {  	_ =	shalt  }
0x5a: {  	_ =	shalt  }
0x5b: {  	_ =	shalt  }
0x5c: {  	_ =	shalt  }
0x5d: {  	_ =	shalt  }
0x5e: {  	_ =	shalt  }
0x5f: {  	_ =	shalt  }
0x60: {  	_ =	shalt  }
0x61: {  	_ =	shalt  }
0x62: {  	_ =	shalt  }
0x63: {  	_ =	shalt  }
0x64: {  	_ =	shalt  }
0x65: {  	_ =	shalt  }
0x66: {  	_ =	shalt  }
0x67: {  	_ =	shalt  }
0x68: {  	_ =	shalt  }
0x69: {  	_ =	shalt  }
0x6a: {  	_ =	shalt  }
0x6b: {  	_ =	shalt  }
0x6c: {  	_ =	shalt  }
0x6d: {  	_ =	shalt  }
0x6e: {  	_ =	shalt  }
0x6f: {  	_ =	shalt  }
0x70: {  	_ =	shalt  }
0x71: {  	_ =	shalt  }
0x72: {  	_ =	shalt  }
0x73: {  	_ =	shalt  }
0x74: {  	_ =	shalt  }
0x75: {  	_ =	shalt  }
0x76: {  	_ =	shalt  }
0x77: {  	_ =	shalt  }
0x78: {  	_ =	shalt  }
0x79: {  	_ =	shalt  }
0x7a: {  	_ =	shalt  }
0x7b: {  	_ =	shalt  }
0x7c: {  	_ =	shalt  }
0x7d: {  	_ =	shalt  }
0x7e: {  	_ =	shalt  }
0x7f: {  	_ =	shalt  }
0x80: {  	_ =	shalt  }
0x81: {  	_ =	shalt  }
0x82: {  	_ =	shalt  }
0x83: {  	_ =	shalt  }
0x84: {  	_ =	shalt  }
0x85: {  	_ =	shalt  }
0x86: {  	_ =	shalt  }
0x87: {  	_ =	shalt  }
.Lfunc_end0:
.L_simem_size_0:
called_computation.1_lowered:
.L_overlay_start_0:
0x88: {  	s2 =	sld [smem:$0x3FD9]  }
0x89: {  	s3 =	sld [smem:$0x3FFE];
	_ =	sdelay $0x1  }
0x8a: {  	s1 =	srdreg.scid  }
0x8b: {  	s0 =	sand.u32 $0x1, s1  }
0x8c: {  	s17 =	sshll.u32 s0, $0xA;
	s2 =	sadd.s32 s3, s2  }
0x8d: {  	s2 =	sadd.s32 s2, s17  }
0x8e: {  	[smem:$0x3FC0] =	sst s2  }
0x8f: {  	_ = 	snop  }
0x90: {  	s2 =	sld [smem:$0x3FD0];
	(tm) =	ssettm $0x1  }
0x91: {  	s18 =	sld [smem:$0x3FFB];
	_ =	sdelay $0x3  }
0x92: {  	_ =	strace s18  }
0x93: {  	s3 =	sld [smem:$0x3FFC];
	_ =	sdelay $0x3  }
0x94: {  	_ =	strace s3  }
0x95: {  	s3 =	sld [smem:$0x3FFD];
	_ =	sdelay $0x3  }
0x96: {  	_ =	strace s3  }
0x97: {  	_ =	strace $0x8FFFFFFF  }
0x98: {  	s19 =	sld [smem:$0x3FDB];
	_ =	sdelay $0x1  }
0x99: {  	s4 =	simm.s32 $_scs_section_size  }
0x9a: {  	s5 =	simm.s32 $_size__tile_overlayer_lowered;
	s6 =	simm.s32 $_tile_overlayer_lowered  }
0x9b: {  	s22 =	simm.s32 $0x1BFF;
	s21 =	sshll.u32 s6, $0x1;
	s3 =	sadd.s32 s4, s19  }
0x9c: {  	s7 =	simm.s32 $0x0;
	s20 =	sshll.u32 s5, $0x1;
	s5 =	sadd.s32 s21, s3  }
0x9d: {  	[timem:s7], [sflag:s22] =	dma.local [hbm:s5], s20  }
0x9e: {  	_ =	swait.ge [sflag:s22], s20  }
0x9f: {  	s4 =	ssub.s32 $0x0, s20;
	[sflag:s22] =	ssyncset.done $0x0  }
0xa0: {  	[sflag:s22] =	ssyncadd.s32 s4;
	_ =	sdelay $0x1  }
0xa1: {  	s23 =	simm.s32 $0x1B8B  }
0xa2: {  	_ =	swait.ge [sflag:s23], $0x1  }
0xa3: {  	[sflag:s23] =	ssyncset.done $0x0  }
0xa4: {  	s25 =	simm.s32 $0x1B8E;
	s24 =	sld [smem:$0x3FFE];
	[sflag:s23] =	ssyncadd.s32 $0xFFFFFFFF  }
0xa5: {  	s26 =	simm.s32 $execute0_lowered;
	[smem:$0x3FD2] =	sst s25  }
0xa6: {  	s5 =	sshll.u32 s26, $0x1;
	_ =	strace $0x80000049;
	[dreg:$0x1] =	wrdreg $0xFFFFFFFF  }
0xa7: {  	s28 =	simm.s32 $_size_execute0_lowered;
	s3 =	sadd.s32 s3, s5;
	[dreg:$0x0] =	wrdreg $0x0  }
0xa8: {  	s5 =	sshll.u32 s28, $0x1;
	[dreg:$0x2] =	wrdreg s3  }
0xa9: {  	[dreg:$0x3] =	wrdreg s5  }
0xaa: {  	[dreg:$0x4] =	wrdreg $0xC0  }
0xab: {  	_ =	task [dreg:s7], $0x5FFFF  }
0xac: {  	[dreg:$0x1] =	wrdreg $0xFFFFFFFF  }
0xad: {  	[dreg:$0x0] =	wrdreg $0x60  }
0xae: {  	[dreg:$0x2] =	wrdreg s24  }
0xaf: {  	[dreg:$0x3] =	wrdreg s2  }
0xb0: {  	[dreg:$0x4] =	wrdreg $0x0  }
0xb1: {  	[dreg:$0x5] =	wrdreg $0x9  }
0xb2: {  	_ =	task.clear_ibuf [dreg:s7], $0x6FFFF;
	_ =	strace $0x90000049  }
0xb3: {  	s29 =	simm.s32 $0x9;
	_ =	strace $0x8000004B  }
0xb4: {  	_ =	swait.ge [sflag:s29], $0x1  }
0xb5: {  	[sflag:s29] =	ssyncadd.s32 $0xFFFFFFFF  }
0xb6: {  	_ =	strace $0x9000004B  }
0xb7: {  	_ =	sfence  }
0xb8: {  	s30 =	sld [smem:$0x0];
	_ =	sdelay $0x2  }
0xb9: {  	s31 =	sshll.u32 s1, $0xD;
	s1 =	sshrl.u32 s1, $0x2  }
0xba: {  	s3 =	sand.u32 $0x4000, s31;
	s1 =	sadd.s32 s1, s30  }
0xbb: {  	s0 =	sor.u32 s3, s0;
	s1 =	sshll.u32 s1, $0x11  }
0xbc: {  	s0 =	sor.u32 s1, s0  }
0xbd: {  	s0 =	sadd.s32 $0x8F2B, s0  }
0xbe: {  	[sflag:s0] =	ssyncadd.remote.s32 $0x1  }
0xbf: {  	_ =	sfence.sel $0xFFFF  }
0xc0: {  	[dreg:$0x0] =	wrdreg $0xFFFFFFFF;
	(pc) =	sbr.abs _section_cstart, $3  }
0xc1: {  	[dreg:$0x1] =	wrdreg $0xFFFFFFFF  }
0xc2: {  	_ =	task.clear_ibuf [dreg:s7], $0x2FFFF;
	_ =	strace $0x9FFFFFFF  }
0xc3: {  	(tm) =	ssettm $0x7FFFFFFF  }
tec
execute0_lowered:
.L_overlay_start_1:
0x0: {  	(tag) =	ssettag $0x1  }
0x1: {  	s6 =	rddreg [dreg:$0x0]  }
0x2: {  	s7 =	rddreg [dreg:$0x1]  }
0x3: {  	s2 =	rddreg [dreg:$0x2]  }
0x4: {  	s0 =	rddreg [dreg:$0x3];
	s3 =	simm.s32 $0x0;
	s4 =	srdreg.scid  }
0x5: {  	s1 =	stileid.u32;
	s14 =	simm.s32 $0x5000;
	s15 =	simm.s32 $0x80  }
0x6: {  	s16 =	simm.s32 $0x7780;
	s17 =	simm.s32 $0x0;
	s5 =	sand.u32 $0x1, s4  }
0x7: {  	s31 =	sshll.u32 s1, $0x1;
	s8 =	smul.u32 $0x5000, s1;
	[smem:$0x7FF] =	sst s3  }
0x8: {  	s4 =	sor.u32 s5, s31;
	s9 =	smul.u32 $0x50000, s5;
	_ =	strace $0x8000004A  }
0x9: {  	s11 =	ssub.s32 $0x2, s5;
	s5 =	sadd.s32 $0xB400, s6;
	s10 =	smul.u32 $0x4F0, s4  }
0xa: {  	s4 =	sadd.s32 $0x1600, s6;
	s13 =	sshrl.u32 s11, $0x1;
	s9 =	sadd.s32 s8, s9  }
0xb: {  	s11 =	ssub.s32 s11, s13;
	s13 =	simm.s32 $0x8780;
	s12 =	sadd.s32 s10, s6  }
0xc: {  	s9 =	sshrl.u32 s9, $0x3;
	s7 =	sadd.s32 s7, s10;
	s10 =	smax.u32 s11, $0x1  }
0xd: {  	s11 =	simm.s32 $0xAF00;
	s9 =	sadd.s32 s9, s6;
	s6 =	sadd.s32 s8, s2  }
0xe: {  	s8 =	sadd.s32 $0x15000, s12;
	s12 =	simm.s32 $0x1;
	s9 =	sadd.s32 $0x1F000, s9  }
.LBB2_1:
0xf: {  	[tilespmem:s11], [sflag:$0x1] =	stream.linear.gather [hbm4b:s5+s3], $0x5000, $0x38;
	[tilespmem:$0xFF00] =	vst v63  }
0x10: {  	_ =	swait.ge [sflag:s12], $0x5000  }
0x11: {  	[sflag:s12] =	ssyncset.done $0x0  }
0x12: {  	[sflag:s12] =	ssyncadd.s32 $0xFFFFB000  }
0x13: {  	[spmem:s6] =	stream.linear.scatter [tilespmem:s11], [sflag:$0x1], $0x5000, $0x38;
	[tilespmem:$0xFF00] =	vst v63  }
0x14: {  	_ =	swait.ge [sflag:s12], $0x5000  }
0x15: {  	[sflag:s12] =	ssyncset.done $0x0  }
0x16: {  	[sflag:s12] =	ssyncadd.s32 $0xFFFFB000  }
0x17: {  	[bflag:$0x0] =	sbarrier.arrive $0xFFFF  }
0x18: {  	[tilespmem:s13], [sflag:$0x1] =	stream.linear.gather [hbm4b:s7+s3], $0x2780, $0x38;
	[tilespmem:$0xFF00] =	vst v63  }
0x19: {  	_ =	swait.ge [sflag:s12], $0x2780  }
0x1a: {  	[sflag:s12] =	ssyncset.done $0x0  }
0x1b: {  	[sflag:s12] =	ssyncadd.s32 $0xFFFFD880  }
0x1c: {  	[tilespmem:s14], [sflag:$0x1] =	stream.linear.gather [hbm4b:s8+s3], $0x2780, $0x38;
	[tilespmem:$0xFF00] =	vst v63  }
0x1d: {  	_ =	swait.ge [sflag:s12], $0x2780  }
0x1e: {  	[sflag:s12] =	ssyncset.done $0x0  }
0x1f: {  	s18 =	simm.s32 $0x8780;
	[sflag:s12] =	ssyncadd.s32 $0xFFFFD880  }
0x20: {  	[tilespmem:s16], [sflag:$0x1] =	stream.indirect.gather [hbm4b:s4+s15], $0x20, s18, s15, $0xb8;
	[tilespmem:$0xFF00] =	vst v63  }
0x21: {  	_ =	swait.ge [sflag:s12], $0x1000  }
0x22: {  	[sflag:s12] =	ssyncset.done $0x0  }
0x23: {  	s31 =	simm.s32 $0x5000;
	[sflag:s12] =	ssyncadd.s32 $0xFFFFF000  }
0x24: {  	[spmem:s2] =	stream.indirect.scatter.add.f32 [tilespmem:s16], [sflag:$0x1], $0x20, s31, s15, $0xb8;
	[tilespmem:$0xFF00] =	vst v63  }
0x25: {  	_ =	swait.ge [sflag:s12], $0x1000  }
0x26: {  	s19 =	simm.s32 $0x400;
	s18 =	simm.s32 $0x80;
	[sflag:s12] =	ssyncset.done $0x0  }
.LBB2_2:
0x27: {  	s20 =	sadd.s32 $0x8780, s18  }
0x28: {  	[sflag:s12] =	ssyncadd.s32 $0xFFFFF000;
	s21 =	smov.u32 s19;
	s22 =	sadd.s32 $0x200, s19  }
0x29: {  	[tilespmem:s16], [sflag:$0x1] =	stream.indirect.gather [hbm4b:s4+s15], $0x20, s20, s15, $0xb8;
	[tilespmem:$0xFF00] =	vst v63  }
0x2a: {  	p0 =	sne.s32 s19, $0x9C00;
	_ =	swait.ge [sflag:s12], $0x1000  }
.Ltmp0:
0x2b: {  	[sflag:s12] =	ssyncset.done $0x0;
	(pc) =	sbr.rel @p0 .LBB2_2-.Ltmp0, $4  }
0x2c: {  	s18 =	sadd.s32 $0x5000, s18;
	[sflag:s12] =	ssyncadd.s32 $0xFFFFF000  }
0x2d: {  	[spmem:s2] =	stream.indirect.scatter.add.f32 [tilespmem:s16], [sflag:$0x1], $0x20, s18, s15, $0xb8;
	[tilespmem:$0xFF00] =	vst v63  }
0x2e: {  	_ =	swait.ge [sflag:s12], $0x1000  }
0x2f: {  	s19 =	smov.u32 s22;
	s18 =	sshra.s32 s21, $0x2;
	[sflag:s12] =	ssyncset.done $0x0  }
0x30: {  	s19 =	sadd.s32 $0x8780, s18;
	[sflag:s12] =	ssyncadd.s32 $0xFFFFF000  }
0x31: {  	[tilespmem:s16], [sflag:$0x1] =	stream.indirect.gather [hbm4b:s4+s15], $0x20, s19, s15, $0xb8;
	[tilespmem:$0xFF00] =	vst v63  }
0x32: {  	_ =	swait.ge [sflag:s12], $0x1000  }
0x33: {  	[sflag:s12] =	ssyncset.done $0x0  }
0x34: {  	s31 =	sadd.s32 $0x5000, s18;
	[sflag:s12] =	ssyncadd.s32 $0xFFFFF000  }
0x35: {  	[spmem:s2] =	stream.indirect.scatter.add.f32 [tilespmem:s16], [sflag:$0x1], $0x20, s31, s15, $0xb8;
	[tilespmem:$0xFF00] =	vst v63  }
0x36: {  	_ =	swait.ge [sflag:s12], $0x1000  }
0x37: {  	[sflag:s12] =	ssyncset.done $0x0  }
0x38: {  	[sflag:s12] =	ssyncadd.s32 $0xFFFFF000  }
0x39: {  	[bflag:$0x0] =	sbarrier.arrive $0xFFFF  }
0x3a: {  	[tilespmem:s11], [sflag:$0x1] =	stream.linear.gather [spmem:s6], $0x5000, $0x38;
	[tilespmem:$0xFF00] =	vst v63  }
0x3b: {  	s17 =	sadd.s32 $0x1, s17;
	_ =	swait.ge [sflag:s12], $0x5000  }
0x3c: {  	p0 =	sne.s32 s17, s10;
	[sflag:s12] =	ssyncset.done $0x0  }
.Ltmp1:
0x3d: {  	[sflag:s12] =	ssyncadd.s32 $0xFFFFB000;
	(pc) =	sbr.rel @p0 .LBB2_1-.Ltmp1, $4  }
0x3e: {  	[hbm4b:s9+s3] =	stream.linear.scatter [tilespmem:s11], [sflag:$0x1], $0x5000, $0x38;
	[tilespmem:$0xFF00] =	vst v63  }
0x3f: {  	_ =	swait.ge [sflag:s12], $0x5000  }
0x40: {  	[sflag:s12] =	ssyncset.done $0x0  }
0x41: {  	[sflag:s12] =	ssyncadd.s32 $0xFFFFB000  }
0x42: {  	_ =	sfence.sel $0x180000  }
0x43: {  	[bflag:$0x0] =	sbarrier.arrive $0xFFFF  }
0x44: {  	p0 =	sne.s32 s1, $0x0;
	_ =	strace $0x9000004A  }
0x45: {  	s0 =	sadd.s32 @!p0 $0x100000, s0;
	[bflag:$0x2] =	sbarrier.arrive $0xFFFF  }
0x46: {  	[sflag:s0] =	ssyncadd.tile.s32 @!p0 $0x1;
	_ =	shalt  }
.Lfunc_end2:
_tile_overlayer_lowered:
.L_overlay_start_2:
0x47: {  	(tag) =	ssettag $0x2  }
0x48: {  	s0 =	rddreg [dreg:$0x0];
	s2 =	stileid.u32  }
0x49: {  	s1 =	rddreg [dreg:$0x1];
	p0 =	sne.s32 s2, $0x0  }
0x4a: {  	s3 =	rddreg [dreg:$0x2];
	[bflag:$0x3] =	sbarrier.arrive $0xFFFF;
	s2 =	simm.s32 @!p0 $0x1C01  }
0x4b: {  	[timem:s3], [sflag:s2] =	dma.local @!p0 [hbm:s0], s1  }
0x4c: {  	s0 =	simm.s32 @!p0 $0x1  }
0x4d: {  	_ =	swait.ge @!p0 [sflag:s0], s1  }
0x4e: {  	s1 =	ssub.s32 @!p0 $0x0, s1;
	[sflag:s0] =	ssyncset.done @!p0 $0x0  }
0x4f: {  	[sflag:s0] =	ssyncadd.s32 @!p0 s1  }
0x50: {  	[bflag:$0x3] =	sbarrier.arrive $0xFFFF  }
0x51: {  	_ =	shalt  }

// kernel: kernel.7.cloned.1.call-start
scs
__scs_entry_jumppad:
0x0: {  	(pc) =	sbr.rel $0x88, $3  }
0x1: {  	(tag) =	ssettag $0x0;
	lr =	simm.s32 $0x1  }
0x2: {  	[smem:$0x3F99] =	sst lr;
	_ =	strace $0xD0000000  }
0x3: {  	_ = 	snop  }
0x4: {  	_ = 	snop  }
0x5: {  	_ = 	snop  }
0x6: {  	_ = 	snop  }
0x7: {  	_ = 	snop  }
__scs_overlays_trampoline_lowered:
0x8: {  	[smem:$0x3FA8] =	sst s0  }
0x9: {  	[smem:$0x3FA9] =	sst s1  }
0xa: {  	[smem:$0x3FAA] =	sst s2  }
0xb: {  	[smem:$0x3FAB] =	sst s3  }
0xc: {  	[smem:$0x3FAC] =	sst s4  }
0xd: {  	[smem:$0x3FAD] =	sst s5  }
0xe: {  	[smem:$0x3FAE] =	sst s6  }
0xf: {  	[smem:$0x3FAF] =	sst s7  }
0x10: {  	[smem:$0x3FB0] =	sst s8  }
0x11: {  	[smem:$0x3FB1] =	sst s9;
	s0 =	simm.s32 @!p0 $0x0  }
0x12: {  	s1 =	sld [smem:$0x3F97];
	s0 =	simm.s32 @p0 $0x1  }
0x13: {  	[smem:$0x3FB2] =	sst s0;
	s0 =	simm.s32 @!p1 $0x0  }
0x14: {  	s2 =	sld [smem:$0x3F96];
	s0 =	simm.s32 @p1 $0x1  }
0x15: {  	[smem:$0x3FB3] =	sst s0;
	s0 =	simm.s32 @!p2 $0x0  }
0x16: {  	s3 =	sld [smem:$0x3FDB];
	s0 =	simm.s32 @p2 $0x1  }
0x17: {  	s4 =	simm.s32 $0x1BF5;
	[smem:$0x3FB5] =	sst s0  }
0x18: {  	s0 =	sld [smem:$0x3F98];
	_ =	swait.ge [sflag:s4], $0x0  }
0x19: {  	s7 =	sld [smem:$0x3F99]  }
0x1a: {  	s8 =	sadd.s32 $0xFFFFE003, lr  }
0x1b: {  	s9 =	sadd.s32 $0xFFFFFEF7, lr;
	s5 =	simm.s32 $0xFFFFFFFF;
	p2 =	slt.u32 s8, $0xFFFFF086  }
0x1c: {  	p1 =	slt.u32 s9, $0xF7A;
	s5 =	simm.s32 @!p2 $0x0  }
0x1d: {  	s5 =	simm.s32 @p1 $0x1;
	p0 =	seq.s32 s7, s2  }
0x1e: {  	s7 =	smul.u32 @!p0 $0xF7A, s2;
	p2 =	seq.s32 @!p0 s5, $0x0  }
0x1f: {  	s9 =	smul.u32 $0xF7A, s1;
	s8 =	simm.s32 @!p0 $0x1BF5;
	p2 =	por !p2, p0  }
0x20: {  	[sflag:s8] =	ssyncset.s32 @!p0 $0xFFFFF086;
	s6 =	sadd.s32 @!p0 s3, s7;
	s7 =	simm.s32 @!p0 $0x108  }
0x21: {  	s3 =	sadd.s32 s3, s9;
	s6 =	sadd.s32 @!p0 $0x88, s6;
	s7 =	simm.s32 @p2 $0x1082  }
0x22: {  	[simem:s7], [sflag:s8] =	dma.local @!p0 [hbm:s6], $0xF7A  }
0x23: {  	s9 =	sor.u32 $0xD0000000, s2;
	s6 =	simm.s32 $0x108;
	_ =	swait.ge @!p0 [sflag:s8], $0x0  }
0x24: {  	s3 =	sadd.s32 $0x88, s3;
	s6 =	simm.s32 @!p1 $0x1082;
	[sflag:s4] =	ssyncset.s32 $0xFFFFF086  }
0x25: {  	[simem:s6], [sflag:s4] =	dma.local [hbm:s3], $0xF7A  }
0x26: {  	[smem:$0x3F99] =	sst s1;
	(tag) =	ssettag s2;
	_ =	strace s9  }
0x27: {  	s1 =	sld [smem:$0x3FA9]  }
0x28: {  	s2 =	sld [smem:$0x3FAA]  }
0x29: {  	s4 =	sld [smem:$0x3FAC]  }
0x2a: {  	p0 =	seq.s32 s5, $0x0;
	s5 =	sld [smem:$0x3FAD]  }
0x2b: {  	s6 =	sld [smem:$0x3FAE]  }
0x2c: {  	s7 =	sld [smem:$0x3FAF]  }
0x2d: {  	s3 =	simm.s32 $0x108;
	s8 =	sld [smem:$0x3FB0]  }
0x2e: {  	s3 =	simm.s32 @!p0 $0x1082;
	s9 =	sld [smem:$0x3FB1]  }
0x2f: {  	lr =	sadd.s32 s0, s3;
	s0 =	sld [smem:$0x3FA8]  }
0x30: {  	s3 =	sld [smem:$0x3FAB]  }
0x31: {  	[smem:$0x3FB4] =	sst s10  }
0x32: {  	s10 =	sld [smem:$0x3FB2];
	_ =	sdelay $0x3  }
0x33: {  	p0 =	seq.s32 s10, $0x1;
	s10 =	sld [smem:$0x3FB4];
	_ =	sdelay $0x3  }
0x34: {  	[smem:$0x3FB4] =	sst s10  }
0x35: {  	s10 =	sld [smem:$0x3FB3];
	_ =	sdelay $0x3  }
0x36: {  	p1 =	seq.s32 s10, $0x1;
	s10 =	sld [smem:$0x3FB4];
	_ =	sdelay $0x3  }
0x37: {  	[smem:$0x3FB4] =	sst s10  }
0x38: {  	s10 =	sld [smem:$0x3FB5]  }
0x39: {  	_ = 	snop;
	(pc) =	sbr.ind lr, $3  }
0x3a: {  	_ = 	snop  }
0x3b: {  	_ = 	snop  }
0x3c: {  	p2 =	seq.s32 s10, $0x1;
	s10 =	sld [smem:$0x3FB4]  }
0x3d: {  	_ =	shalt  }
0x3e: {  	_ =	shalt  }
0x3f: {  	_ =	shalt  }
0x40: {  	_ =	shalt  }
0x41: {  	_ =	shalt  }
0x42: {  	_ =	shalt  }
0x43: {  	_ =	shalt  }
0x44: {  	_ =	shalt  }
0x45: {  	_ =	shalt  }
0x46: {  	_ =	shalt  }
0x47: {  	_ =	shalt  }
0x48: {  	_ =	shalt  }
0x49: {  	_ =	shalt  }
0x4a: {  	_ =	shalt  }
0x4b: {  	_ =	shalt  }
0x4c: {  	_ =	shalt  }
0x4d: {  	_ =	shalt  }
0x4e: {  	_ =	shalt  }
0x4f: {  	_ =	shalt  }
0x50: {  	_ =	shalt  }
0x51: {  	_ =	shalt  }
0x52: {  	_ =	shalt  }
0x53: {  	_ =	shalt  }
0x54: {  	_ =	shalt  }
0x55: {  	_ =	shalt  }
0x56: {  	_ =	shalt  }
0x57: {  	_ =	shalt  }
0x58: {  	_ =	shalt  }
0x59: {  	_ =	shalt  }
0x5a: {  	_ =	shalt  }
0x5b: {  	_ =	shalt  }
0x5c: {  	_ =	shalt  }
0x5d: {  	_ =	shalt  }
0x5e: {  	_ =	shalt  }
0x5f: {  	_ =	shalt  }
0x60: {  	_ =	shalt  }
0x61: {  	_ =	shalt  }
0x62: {  	_ =	shalt  }
0x63: {  	_ =	shalt  }
0x64: {  	_ =	shalt  }
0x65: {  	_ =	shalt  }
0x66: {  	_ =	shalt  }
0x67: {  	_ =	shalt  }
0x68: {  	_ =	shalt  }
0x69: {  	_ =	shalt  }
0x6a: {  	_ =	shalt  }
0x6b: {  	_ =	shalt  }
0x6c: {  	_ =	shalt  }
0x6d: {  	_ =	shalt  }
0x6e: {  	_ =	shalt  }
0x6f: {  	_ =	shalt  }
0x70: {  	_ =	shalt  }
0x71: {  	_ =	shalt  }
0x72: {  	_ =	shalt  }
0x73: {  	_ =	shalt  }
0x74: {  	_ =	shalt  }
0x75: {  	_ =	shalt  }
0x76: {  	_ =	shalt  }
0x77: {  	_ =	shalt  }
0x78: {  	_ =	shalt  }
0x79: {  	_ =	shalt  }
0x7a: {  	_ =	shalt  }
0x7b: {  	_ =	shalt  }
0x7c: {  	_ =	shalt  }
0x7d: {  	_ =	shalt  }
0x7e: {  	_ =	shalt  }
0x7f: {  	_ =	shalt  }
0x80: {  	_ =	shalt  }
0x81: {  	_ =	shalt  }
0x82: {  	_ =	shalt  }
0x83: {  	_ =	shalt  }
0x84: {  	_ =	shalt  }
0x85: {  	_ =	shalt  }
0x86: {  	_ =	shalt  }
0x87: {  	_ =	shalt  }
.Lfunc_end0:
.L_simem_size_0:
called_computation_lowered:
.L_overlay_start_0:
0x88: {  	s2 =	sld [smem:$0x3FD9]  }
0x89: {  	s3 =	sld [smem:$0x3FFE];
	_ =	sdelay $0x1  }
0x8a: {  	s1 =	srdreg.scid  }
0x8b: {  	s0 =	sand.u32 $0x1, s1  }
0x8c: {  	s17 =	sshll.u32 s0, $0xA;
	s2 =	sadd.s32 s3, s2  }
0x8d: {  	s2 =	sadd.s32 s2, s17  }
0x8e: {  	[smem:$0x3FC0] =	sst s2  }
0x8f: {  	_ = 	snop  }
0x90: {  	s2 =	sld [smem:$0x3FD0];
	(tm) =	ssettm $0x1  }
0x91: {  	s18 =	sld [smem:$0x3FFB];
	_ =	sdelay $0x3  }
0x92: {  	_ =	strace s18  }
0x93: {  	s3 =	sld [smem:$0x3FFC];
	_ =	sdelay $0x3  }
0x94: {  	_ =	strace s3  }
0x95: {  	s3 =	sld [smem:$0x3FFD];
	_ =	sdelay $0x3  }
0x96: {  	_ =	strace s3  }
0x97: {  	_ =	strace $0x8FFFFFFF  }
0x98: {  	s19 =	sld [smem:$0x3FDB];
	_ =	sdelay $0x1  }
0x99: {  	s4 =	simm.s32 $_scs_section_size  }
0x9a: {  	s5 =	simm.s32 $_size__tile_overlayer_lowered;
	s6 =	simm.s32 $_tile_overlayer_lowered  }
0x9b: {  	s22 =	simm.s32 $0x1BFF;
	s21 =	sshll.u32 s6, $0x1;
	s3 =	sadd.s32 s4, s19  }
0x9c: {  	s7 =	simm.s32 $0x0;
	s20 =	sshll.u32 s5, $0x1;
	s5 =	sadd.s32 s21, s3  }
0x9d: {  	[timem:s7], [sflag:s22] =	dma.local [hbm:s5], s20  }
0x9e: {  	_ =	swait.ge [sflag:s22], s20  }
0x9f: {  	s4 =	ssub.s32 $0x0, s20;
	[sflag:s22] =	ssyncset.done $0x0  }
0xa0: {  	[sflag:s22] =	ssyncadd.s32 s4;
	_ =	sdelay $0x1  }
0xa1: {  	s23 =	simm.s32 $0x1B8B  }
0xa2: {  	_ =	swait.ge [sflag:s23], $0x1  }
0xa3: {  	[sflag:s23] =	ssyncset.done $0x0  }
0xa4: {  	s25 =	simm.s32 $0x1B8E;
	s24 =	sld [smem:$0x3FFE];
	[sflag:s23] =	ssyncadd.s32 $0xFFFFFFFF  }
0xa5: {  	s26 =	simm.s32 $execute0_lowered;
	[smem:$0x3FD2] =	sst s25  }
0xa6: {  	s5 =	sshll.u32 s26, $0x1;
	_ =	strace $0x80000046;
	[dreg:$0x1] =	wrdreg $0xFFFFFFFF  }
0xa7: {  	s28 =	simm.s32 $_size_execute0_lowered;
	s3 =	sadd.s32 s3, s5;
	[dreg:$0x0] =	wrdreg $0x0  }
0xa8: {  	s5 =	sshll.u32 s28, $0x1;
	[dreg:$0x2] =	wrdreg s3  }
0xa9: {  	[dreg:$0x3] =	wrdreg s5  }
0xaa: {  	[dreg:$0x4] =	wrdreg $0xC0  }
0xab: {  	_ =	task [dreg:s7], $0x5FFFF  }
0xac: {  	[dreg:$0x1] =	wrdreg $0xFFFFFFFF  }
0xad: {  	[dreg:$0x0] =	wrdreg $0x60  }
0xae: {  	[dreg:$0x2] =	wrdreg s24  }
0xaf: {  	[dreg:$0x3] =	wrdreg s2  }
0xb0: {  	[dreg:$0x4] =	wrdreg $0x0  }
0xb1: {  	[dreg:$0x5] =	wrdreg $0xA0000  }
0xb2: {  	[dreg:$0x6] =	wrdreg $0x9  }
0xb3: {  	_ =	task.clear_ibuf [dreg:s7], $0x7FFFF;
	_ =	strace $0x90000046  }
0xb4: {  	s29 =	simm.s32 $0x9;
	_ =	strace $0x80000048  }
0xb5: {  	_ =	swait.ge [sflag:s29], $0x1  }
0xb6: {  	[sflag:s29] =	ssyncadd.s32 $0xFFFFFFFF  }
0xb7: {  	_ =	strace $0x90000048  }
0xb8: {  	_ =	sfence  }
0xb9: {  	s30 =	sld [smem:$0x0];
	_ =	sdelay $0x2  }
0xba: {  	s31 =	sshll.u32 s1, $0xD;
	s1 =	sshrl.u32 s1, $0x2  }
0xbb: {  	s3 =	sand.u32 $0x4000, s31;
	s1 =	sadd.s32 s1, s30  }
0xbc: {  	s0 =	sor.u32 s3, s0;
	s1 =	sshll.u32 s1, $0x11  }
0xbd: {  	s0 =	sor.u32 s1, s0  }
0xbe: {  	s0 =	sadd.s32 $0x8F2B, s0  }
0xbf: {  	[sflag:s0] =	ssyncadd.remote.s32 $0x1  }
0xc0: {  	_ =	sfence.sel $0xFFFF  }
0xc1: {  	[dreg:$0x0] =	wrdreg $0xFFFFFFFF;
	(pc) =	sbr.abs _section_cstart, $3  }
0xc2: {  	[dreg:$0x1] =	wrdreg $0xFFFFFFFF  }
0xc3: {  	_ =	task.clear_ibuf [dreg:s7], $0x2FFFF;
	_ =	strace $0x9FFFFFFF  }
0xc4: {  	(tm) =	ssettm $0x7FFFFFFF  }
0xc5: {  	_ =	shalt  }
tec
execute0_lowered:
.L_overlay_start_1:
0x0: {  	(tag) =	ssettag $0x1  }
0x1: {  	s8 =	rddreg [dreg:$0x0]  }
0x2: {  	s1 =	srdreg.scid;
	s10 =	rddreg [dreg:$0x1]  }
0x3: {  	s0 =	stileid.u32;
	s2 =	rddreg [dreg:$0x2]  }
0x4: {  	s3 =	rddreg [dreg:$0x3];
	s4 =	simm.s32 $0x0;
	s18 =	simm.s32 $0xED00  }
0x5: {  	s19 =	simm.s32 $0xA500;
	s20 =	simm.s32 $0x80;
	s21 =	simm.s32 $0xCD00  }
0x6: {  	s22 =	simm.s32 $0xCC80;
	s23 =	simm.s32 $0x0;
	s12 =	smul.u32 $0xA000, s0  }
0x7: {  	s9 =	sand.u32 $0x1, s1;
	s31 =	sshll.u32 s0, $0x1;
	s14 =	smul.u32 $0x280, s0  }
0x8: {  	[smem:$0x7FF] =	sst s4;
	s5 =	sadd.s32 $0x1600, s8;
	s13 =	smul.u32 $0xA0000, s9  }
0x9: {  	s6 =	sadd.s32 $0x1F000, s8;
	s1 =	sor.u32 s9, s31;
	s16 =	smul.u32 $0x2800, s9  }
0xa: {  	s7 =	sadd.s32 $0x1EE00, s8;
	s9 =	ssub.s32 $0x2, s9;
	s11 =	smul.u32 $0x4F0, s1  }
0xb: {  	s1 =	rddreg [dreg:$0x4];
	_ =	strace $0x80000047;
	s17 =	sshrl.u32 s9, $0x1  }
0xc: {  	s13 =	sadd.s32 s12, s13;
	s16 =	sadd.s32 s14, s16;
	s17 =	ssub.s32 s9, s17  }
0xd: {  	s9 =	sadd.s32 s14, s3;
	s15 =	sadd.s32 s11, s8;
	s13 =	sshrl.u32 s13, $0x3  }
0xe: {  	s16 =	sshrl.u32 s16, $0x3;
	s10 =	sadd.s32 s10, s11;
	s14 =	smax.u32 s17, $0x1  }
0xf: {  	s17 =	simm.s32 $0xA280;
	s13 =	sadd.s32 s13, s8;
	s16 =	sadd.s32 s16, s8  }
0x10: {  	s8 =	sadd.s32 s12, s2;
	s11 =	sadd.s32 $0x15000, s15;
	s15 =	simm.s32 $0x11480  }
0x11: {  	v0 =	vimm.f32 $1.000000000e+00;
	s12 =	sadd.s32 $0x20400, s13;
	s13 =	sadd.s32 $0x48400, s16;
	s16 =	simm.s32 $0x1  }
.LBB2_1:
0x12: {  	[tilespmem:s15], [sflag:$0x1] =	stream.linear.gather [hbm4b:s6+s4], $0xA000, $0x38;
	[tilespmem:$0x1B480] =	vst v63  }
0x13: {  	_ =	swait.ge [sflag:s16], $0xA000  }
0x14: {  	[sflag:s16] =	ssyncset.done $0x0  }
0x15: {  	[sflag:s16] =	ssyncadd.s32 $0xFFFF6000  }
0x16: {  	[spmem:s8] =	stream.linear.scatter [tilespmem:s15], [sflag:$0x1], $0xA000, $0x38;
	[tilespmem:$0x1B480] =	vst v63  }
0x17: {  	_ =	swait.ge [sflag:s16], $0xA000  }
0x18: {  	[sflag:s16] =	ssyncset.done $0x0  }
0x19: {  	[sflag:s16] =	ssyncadd.s32 $0xFFFF6000  }
0x1a: {  	[tilespmem:s17], [sflag:$0x1] =	stream.linear.gather [hbm4b:s7+s4], $0x280, $0x38;
	[tilespmem:$0x1B480] =	vst v63  }
0x1b: {  	_ =	swait.ge [sflag:s16], $0x280  }
0x1c: {  	[sflag:s16] =	ssyncset.done $0x0  }
0x1d: {  	[sflag:s16] =	ssyncadd.s32 $0xFFFFFD80  }
0x1e: {  	[spmem:s9] =	stream.linear.scatter [tilespmem:s17], [sflag:$0x1], $0x280, $0x38;
	[tilespmem:$0x1B480] =	vst v63  }
0x1f: {  	_ =	swait.ge [sflag:s16], $0x280  }
0x20: {  	[sflag:s16] =	ssyncset.done $0x0  }
0x21: {  	[sflag:s16] =	ssyncadd.s32 $0xFFFFFD80  }
0x22: {  	[tilespmem:$0xCC80] =	vst v0  }
0x23: {  	[tilespmem:$0xCC90] =	vst v0  }
0x24: {  	[tilespmem:$0xCCA0] =	vst v0  }
0x25: {  	[tilespmem:$0xCCB0] =	vst v0  }
0x26: {  	[tilespmem:$0xCCC0] =	vst v0  }
0x27: {  	[tilespmem:$0xCCD0] =	vst v0  }
0x28: {  	[tilespmem:$0xCCE0] =	vst v0  }
0x29: {  	[tilespmem:$0xCCF0] =	vst v0  }
0x2a: {  	[bflag:$0x0] =	sbarrier.arrive $0xFFFF  }
0x2b: {  	[tilespmem:s18], [sflag:$0x1] =	stream.linear.gather [hbm4b:s10+s4], $0x2780, $0x38;
	[tilespmem:$0x1B480] =	vst v63  }
0x2c: {  	_ =	swait.ge [sflag:s16], $0x2780  }
0x2d: {  	[sflag:s16] =	ssyncset.done $0x0  }
0x2e: {  	[sflag:s16] =	ssyncadd.s32 $0xFFFFD880  }
0x2f: {  	[tilespmem:s19], [sflag:$0x1] =	stream.linear.gather [hbm4b:s11+s4], $0x2780, $0x38;
	[tilespmem:$0x1B480] =	vst v63  }
0x30: {  	_ =	swait.ge [sflag:s16], $0x2780  }
0x31: {  	[sflag:s16] =	ssyncset.done $0x0  }
0x32: {  	s24 =	simm.s32 $0xED00;
	[sflag:s16] =	ssyncadd.s32 $0xFFFFD880  }
0x33: {  	[tilespmem:s21], [sflag:$0x1] =	stream.indirect.gather [hbm4b:s5+s20], $0x40, s24, s20, $0xb8;
	[tilespmem:$0x1B480] =	vst v63  }
0x34: {  	_ =	swait.ge [sflag:s16], $0x2000  }
0x35: {  	[sflag:s16] =	ssyncset.done $0x0  }
0x36: {  	s31 =	simm.s32 $0xA500;
	[sflag:s16] =	ssyncadd.s32 $0xFFFFE000  }
0x37: {  	[spmem:s2] =	stream.indirect.scatter.add.f32 [tilespmem:s21], [sflag:$0x1], $0x40, s31, s20, $0xb8;
	[tilespmem:$0x1B480] =	vst v63  }
0x38: {  	_ =	swait.ge [sflag:s16], $0x2000  }
0x39: {  	[sflag:s16] =	ssyncset.done $0x0  }
0x3a: {  	[sflag:s16] =	ssyncadd.s32 $0xFFFFE000  }
0x3b: {  	[spmem:s3] =	stream.indirect.scatter.add.f32 [tilespmem:s22], [sflag:$0x1], $0x1, s31, s20, $0xb8;
	[tilespmem:$0x1B480] =	vst v63  }
0x3c: {  	_ =	swait.ge [sflag:s16], $0x80  }
0x3d: {  	s25 =	simm.s32 $0x400;
	s24 =	simm.s32 $0x80;
	[sflag:s16] =	ssyncset.done $0x0  }
.LBB2_2:
0x3e: {  	s26 =	sadd.s32 $0xED00, s24  }
0x3f: {  	[sflag:s16] =	ssyncadd.s32 $0xFFFFFF80;
	s28 =	smov.u32 s25;
	s29 =	sadd.s32 $0x200, s25  }
0x40: {  	[tilespmem:s21], [sflag:$0x1] =	stream.indirect.gather [hbm4b:s5+s20], $0x40, s26, s20, $0xb8;
	[tilespmem:$0x1B480] =	vst v63  }
0x41: {  	p0 =	sne.s32 s25, $0x9C00;
	_ =	swait.ge [sflag:s16], $0x2000  }
0x42: {  	[sflag:s16] =	ssyncset.done $0x0  }
0x43: {  	s24 =	sadd.s32 $0xA500, s24;
	[sflag:s16] =	ssyncadd.s32 $0xFFFFE000  }
0x44: {  	[spmem:s2] =	stream.indirect.scatter.add.f32 [tilespmem:s21], [sflag:$0x1], $0x40, s24, s20, $0xb8;
	[tilespmem:$0x1B480] =	vst v63  }
0x45: {  	_ =	swait.ge [sflag:s16], $0x2000  }
.Ltmp0:
0x46: {  	[sflag:s16] =	ssyncset.done $0x0;
	(pc) =	sbr.rel @p0 .LBB2_2-.Ltmp0, $4  }
0x47: {  	[sflag:s16] =	ssyncadd.s32 $0xFFFFE000  }
0x48: {  	[spmem:s3] =	stream.indirect.scatter.add.f32 [tilespmem:s22], [sflag:$0x1], $0x1, s24, s20, $0xb8;
	[tilespmem:$0x1B480] =	vst v63  }
0x49: {  	_ =	swait.ge [sflag:s16], $0x80  }
0x4a: {  	s25 =	smov.u32 s29;
	s24 =	sshra.s32 s28, $0x2;
	[sflag:s16] =	ssyncset.done $0x0  }
0x4b: {  	s25 =	sadd.s32 $0xED00, s24;
	[sflag:s16] =	ssyncadd.s32 $0xFFFFFF80  }
0x4c: {  	[tilespmem:s21], [sflag:$0x1] =	stream.indirect.gather [hbm4b:s5+s20], $0x40, s25, s20, $0xb8;
	[tilespmem:$0x1B480] =	vst v63  }
0x4d: {  	_ =	swait.ge [sflag:s16], $0x2000  }
0x4e: {  	[sflag:s16] =	ssyncset.done $0x0  }
0x4f: {  	s31 =	sadd.s32 $0xA500, s24;
	[sflag:s16] =	ssyncadd.s32 $0xFFFFE000  }
0x50: {  	[spmem:s2] =	stream.indirect.scatter.add.f32 [tilespmem:s21], [sflag:$0x1], $0x40, s31, s20, $0xb8;
	[tilespmem:$0x1B480] =	vst v63  }
0x51: {  	_ =	swait.ge [sflag:s16], $0x2000  }
0x52: {  	[sflag:s16] =	ssyncset.done $0x0  }
0x53: {  	[sflag:s16] =	ssyncadd.s32 $0xFFFFE000  }
0x54: {  	[spmem:s3] =	stream.indirect.scatter.add.f32 [tilespmem:s22], [sflag:$0x1], $0x1, s31, s20, $0xb8;
	[tilespmem:$0x1B480] =	vst v63  }
0x55: {  	_ =	swait.ge [sflag:s16], $0x80  }
0x56: {  	[sflag:s16] =	ssyncset.done $0x0  }
0x57: {  	[sflag:s16] =	ssyncadd.s32 $0xFFFFFF80  }
0x58: {  	[bflag:$0x0] =	sbarrier.arrive $0xFFFF  }
0x59: {  	[tilespmem:s15], [sflag:$0x1] =	stream.linear.gather [spmem:s8], $0xA000, $0x38;
	[tilespmem:$0x1B480] =	vst v63  }
0x5a: {  	_ =	swait.ge [sflag:s16], $0xA000  }
0x5b: {  	[sflag:s16] =	ssyncset.done $0x0  }
0x5c: {  	[sflag:s16] =	ssyncadd.s32 $0xFFFF6000  }
0x5d: {  	[hbm4b:s12+s4] =	stream.linear.scatter [tilespmem:s15], [sflag:$0x1], $0xA000, $0x38;
	[tilespmem:$0x1B480] =	vst v63  }
0x5e: {  	_ =	swait.ge [sflag:s16], $0xA000  }
0x5f: {  	[sflag:s16] =	ssyncset.done $0x0  }
0x60: {  	[sflag:s16] =	ssyncadd.s32 $0xFFFF6000  }
0x61: {  	[tilespmem:s17], [sflag:$0x1] =	stream.linear.gather [spmem:s9], $0x280, $0x38;
	[tilespmem:$0x1B480] =	vst v63  }
0x62: {  	s23 =	sadd.s32 $0x1, s23;
	_ =	swait.ge [sflag:s16], $0x280  }
0x63: {  	p0 =	sne.s32 s23, s14;
	[sflag:s16] =	ssyncset.done $0x0  }
.Ltmp1:
0x64: {  	[sflag:s16] =	ssyncadd.s32 $0xFFFFFD80;
	(pc) =	sbr.rel @p0 .LBB2_1-.Ltmp1, $4  }
0x65: {  	[hbm4b:s13+s4] =	stream.linear.scatter [tilespmem:s17], [sflag:$0x1], $0x280, $0x38;
	[tilespmem:$0x1B480] =	vst v63  }
0x66: {  	_ =	swait.ge [sflag:s16], $0x280  }
0x67: {  	[sflag:s16] =	ssyncset.done $0x0  }
0x68: {  	[sflag:s16] =	ssyncadd.s32 $0xFFFFFD80  }
0x69: {  	_ =	sfence.sel $0x180000  }
0x6a: {  	[bflag:$0x0] =	sbarrier.arrive $0xFFFF  }
0x6b: {  	p0 =	sne.s32 s0, $0x0;
	_ =	strace $0x90000047  }
0x6c: {  	s0 =	sadd.s32 @!p0 $0x100000, s1;
	[bflag:$0x2] =	sbarrier.arrive $0xFFFF  }
0x6d: {  	[sflag:s0] =	ssyncadd.tile.s32 @!p0 $0x1;
	_ =	shalt  }
.Lfunc_end2:
_tile_overlayer_lowered:
.L_overlay_start_2:
0x6e: {  	(tag) =	ssettag $0x2  }
0x6f: {  	s0 =	rddreg [dreg:$0x0];
	s2 =	stileid.u32  }
0x70: {  	s1 =	rddreg [dreg:$0x1];
	p0 =	sne.s32 s2, $0x0  }
0x71: {  	s3 =	rddreg [dreg:$0x2];
	[bflag:$0x3] =	sbarrier.arrive $0xFFFF;
	s2 =	simm.s32 @!p0 $0x1C01  }
0x72: {  	[timem:s3], [sflag:s2] =	dma.local @!p0 [hbm:s0], s1  }
0x73: {  	s0 =	simm.s32 @!p0 $0x1  }
0x74: {  	_ =	swait.ge @!p0 [sflag:s0], s1  }
0x75: {  	s1 =	ssub.s32 @!p0 $0x0, s1;
	[sflag:s0] =	ssyncset.done @!p0 $0x0  }
0x76: {  	[sflag:s0] =	ssyncadd.s32 @!p0 s1  }
0x77: {  	[bflag:$0x3] =	sbarrier.arrive $0xFFFF  }
0x78: {  	_ =	shalt  }

</sc_bundles>
